<compile_context>
chip_gen: v7x
topology: tpu7x:2x2x1
jax: 0.10.2.dev20260603
libtpu: 0.0.44.dev20260713+nightly
codegen_flags: <defaults>
</compile_context>

<pallas_src>
import functools

import jax
import jax.numpy as jnp
from jax import lax
from jax.experimental import pallas as pl
from jax.experimental.pallas import tpu as pltpu
from jax.experimental.pallas import tpu_sc as plsc

D_MODEL = 64
SCALE = 8.0

NUM_CORES = 2
NUM_SUBCORES = 16
NUM_WORKERS = NUM_CORES * NUM_SUBCORES

BBLK = 128
PITCH = BBLK + 1
NBUF = 4


@functools.lru_cache(maxsize=None)
def _build(S, B):
    assert B == NUM_WORKERS * BBLK
    assert S % NBUF == 0

    mesh = plsc.VectorSubcoreMesh(
        core_axis_name="c",
        subcore_axis_name="s",
        num_cores=NUM_CORES,
        num_subcores=NUM_SUBCORES,
    )

    @functools.partial(
        pl.kernel,
        out_type=jax.ShapeDtypeStruct((S, 8, NUM_WORKERS, 8, BBLK), jnp.float32),
        mesh=mesh,
        scratch_types=[
            pltpu.VMEM((S, BBLK), jnp.int32),
            [pltpu.VMEM((BBLK, 2 * D_MODEL), jnp.float32) for _ in range(NBUF)],
            [pltpu.VMEM((8, 8, PITCH), jnp.float32) for _ in range(NBUF)],
            [pltpu.SemaphoreType.DMA for _ in range(NBUF)],
            [pltpu.SemaphoreType.DMA for _ in range(NBUF)],
        ],
        compiler_params=pltpu.CompilerParams(
            use_tc_tiling_on_sc=False, needs_layout_passes=False
        ),
    )
    def emb_kernel(xt_hbm, table_hbm, out_hbm, idx_v, gbufs, obufs, gsems, osems):
        w = lax.axis_index("s") * NUM_CORES + lax.axis_index("c")
        pltpu.sync_copy(xt_hbm.at[:, pl.ds(w * BBLK, BBLK)], idx_v)

        def gather(s, b):
            return pltpu.make_async_copy(
                table_hbm.at[idx_v.at[s]], gbufs[b], gsems[b]
            )

        def out_write(s, b):
            return pltpu.make_async_copy(
                obufs[b].at[:, :, pl.ds(0, BBLK)],
                out_hbm.at[s, :, w],
                osems[b],
            )

        for b in range(NBUF):
            gather(b, b).start()

        iota = lax.iota(jnp.int32, 16)
        tcs = [(iota + 16 * m) // 8 for m in range(D_MODEL // 16)]
        rs = [(iota + 16 * m) % 8 for m in range(D_MODEL // 16)]

        @pl.loop(0, S, step=NBUF)
        def _group(g):
            for b in range(NBUF):
                s = g + b
                gather(s, b).wait()

                @pl.when(s >= NBUF)
                def _():
                    out_write(s - NBUF, b).wait()

                @pl.loop(0, BBLK, step=2, unroll=2)
                def _row(l):
                    nm = D_MODEL // 16
                    lv = jnp.full((16,), 0, jnp.int32) + l
                    lv2 = lv + 1
                    vals = [gbufs[b][l, pl.ds(16 * m, 16)] for m in range(nm)]
                    vals2 = [
                        gbufs[b][l + 1, pl.ds(16 * m, 16)] for m in range(nm)
                    ]
                    sc1 = [v * SCALE for v in vals]
                    sc2 = [v * SCALE for v in vals2]
                    for m in range(nm):
                        plsc.store_scatter(obufs[b], [tcs[m], rs[m], lv], sc1[m])
                    for m in range(nm):
                        plsc.store_scatter(obufs[b], [tcs[m], rs[m], lv2], sc2[m])

                @pl.when(s + NBUF < S)
                def _():
                    gather(s + NBUF, b).start()

                out_write(s, b).start()

        for b in range(NBUF):
            out_write(S - NBUF + b, b).wait()

    return emb_kernel


def kernel(x, lut):
    bsz, seq = x.shape
    xt = jnp.transpose(x)
    lutp = jnp.pad(lut, ((0, 0), (0, D_MODEL)))
    out5 = _build(seq, bsz)(xt, lutp)
    out = out5.transpose(2, 4, 0, 1, 3).reshape(bsz, seq, D_MODEL)
    return out

# --- scband reference (transcript-rebuilt; emitter-appended) ---
"""Pipeline reference for scband-embeddings-49624052138382 (READ-ONLY COPY).

The authoritative reference and input builder live on the scoring server;
editing this copy changes nothing except your own understanding.
"""

import jax, jax.numpy as jnp
import numpy as np
import math

D_MODEL = 64
VOCAB = 1000000
BATCH = 4096
SEQ = 200

def setup_inputs(seed: int = 0) -> dict:
    key = jax.random.key(seed)
    k1, k2 = jax.random.split(key)
    x = jax.random.randint(k1, (BATCH, SEQ), 0, VOCAB, dtype=jnp.int32)
    lut = jax.random.normal(k2, (VOCAB, D_MODEL), dtype=jnp.float32)
    return {"x": x, "lut": lut}

def reference(x, lut):
    # Embeddings.forward: self.lut(x) * sqrt(d_model)
    emb = jnp.take(lut, x, axis=0)
    return emb * math.sqrt(D_MODEL)

if __name__ == "__main__":
    import jax
    _d = setup_inputs()
    print(jax.jit(kernel)(*tuple(_d.values())))

</pallas_src>

<mosaic_0001>
#map = affine_map<(d0, d1) -> (0, 0)>
#map1 = affine_map<(d0, d1) -> (0, 0, 0, 0, 0)>
module attributes {stable_mosaic.version = 14 : i64} {
  func.func @emb_kernel(%arg0: i32, %arg1: i32, %arg2: memref<200x4096xi32, #tpu.memory_space<hbm>>, %arg3: memref<1000000x128xf32, #tpu.memory_space<hbm>>, %arg4: memref<200x8x32x8x128xf32, #tpu.memory_space<hbm>>, %arg5: memref<200x128xi32, #tpu.memory_space<vmem>>, %arg6: memref<128x128xf32, #tpu.memory_space<vmem>>, %arg7: memref<128x128xf32, #tpu.memory_space<vmem>>, %arg8: memref<128x128xf32, #tpu.memory_space<vmem>>, %arg9: memref<128x128xf32, #tpu.memory_space<vmem>>, %arg10: memref<8x8x129xf32, #tpu.memory_space<vmem>>, %arg11: memref<8x8x129xf32, #tpu.memory_space<vmem>>, %arg12: memref<8x8x129xf32, #tpu.memory_space<vmem>>, %arg13: memref<8x8x129xf32, #tpu.memory_space<vmem>>, %arg14: memref<!tpu.dma_semaphore, #tpu.memory_space<semaphore_mem>>, %arg15: memref<!tpu.dma_semaphore, #tpu.memory_space<semaphore_mem>>, %arg16: memref<!tpu.dma_semaphore, #tpu.memory_space<semaphore_mem>>, %arg17: memref<!tpu.dma_semaphore, #tpu.memory_space<semaphore_mem>>, %arg18: memref<!tpu.dma_semaphore, #tpu.memory_space<semaphore_mem>>, %arg19: memref<!tpu.dma_semaphore, #tpu.memory_space<semaphore_mem>>, %arg20: memref<!tpu.dma_semaphore, #tpu.memory_space<semaphore_mem>>, %arg21: memref<!tpu.dma_semaphore, #tpu.memory_space<semaphore_mem>>) attributes {dimension_semantics = [#tpu.dimension_semantics<core_parallel>, #tpu.dimension_semantics<subcore_parallel>], iteration_bounds = array<i64: 2, 16>, scalar_prefetch = 0 : i64, scratch_operands = 17 : i64, tpu.core_type = #tpu.core_type<sc_vector_subcore>, window_params = [{transform_indices = #map}, {transform_indices = #map}, {transform_indices = #map1}]} {
    %mul3A = arith.constant 2 : i32
    %mul3A_0 = arith.muli %arg1, %mul3A : i32
    %add3A = arith.addi %mul3A_0, %arg0 : i32
    %mul3A_1 = arith.constant 128 : i32
    %mul3A_2 = arith.muli %add3A, %mul3A_1 : i32
    "tpu.region"() ({
      %run_scoped3A = tpu.sem_alloc : memref<!tpu.dma_semaphore, #tpu.memory_space<semaphore_mem>>
      %dma_start3A_335 = arith.constant 0 : i32
      %dma_start3A_336 = tpu.memref_slice %arg2[%dma_start3A_335, %mul3A_2] : memref<200x4096xi32, #tpu.memory_space<hbm>> -> memref<200x128xi32, #tpu.memory_space<hbm>>
      %dma_start3A_337 = arith.constant 0 : i32
      %dma_start3A_338 = tpu.memref_slice %arg2[%dma_start3A_337, %mul3A_2] : memref<200x4096xi32, #tpu.memory_space<hbm>> -> memref<200x128xi32, #tpu.memory_space<hbm>>
      tpu.enqueue_dma source(%dma_start3A_338 : memref<200x128xi32, #tpu.memory_space<hbm>>) target(%arg5 : memref<200x128xi32, #tpu.memory_space<vmem>>) target_semaphore(%run_scoped3A : memref<!tpu.dma_semaphore, #tpu.memory_space<semaphore_mem>>)
      %dma_wait3A_339 = arith.constant 0 : i32
      %dma_wait3A_340 = tpu.memref_slice %arg2[%dma_wait3A_339, %mul3A_2] : memref<200x4096xi32, #tpu.memory_space<hbm>> -> memref<200x128xi32, #tpu.memory_space<hbm>>
      %dma_wait3A_341 = arith.constant 0 : i32
      %dma_wait3A_342 = tpu.memref_slice %arg2[%dma_wait3A_341, %mul3A_2] : memref<200x4096xi32, #tpu.memory_space<hbm>> -> memref<200x128xi32, #tpu.memory_space<hbm>>
      tpu.wait_dma2 semaphore(%run_scoped3A : memref<!tpu.dma_semaphore, #tpu.memory_space<semaphore_mem>>) src(%dma_wait3A_342 : memref<200x128xi32, #tpu.memory_space<hbm>>) dst(%arg5 : memref<200x128xi32, #tpu.memory_space<vmem>>)
      tpu.yield
    }) : () -> ()
    %dma_start3A = arith.constant 0 : i32
    %dma_start3A_3 = arith.constant 0 : i32
    %dma_start3A_4 = tpu.memref_slice %arg5[%dma_start3A, %dma_start3A_3] : memref<200x128xi32, #tpu.memory_space<vmem>> -> memref<1x128xi32, #tpu.memory_space<vmem>>
    %dma_start3A_5 = tpu.memref_squeeze %dma_start3A_4 : memref<1x128xi32, #tpu.memory_space<vmem>> -> memref<128xi32, #tpu.memory_space<vmem>>
    %dma_start3A_6 = arith.constant 0 : i32
    %dma_start3A_7 = arith.constant 0 : i32
    %dma_start3A_8 = tpu.memref_slice %arg3[%dma_start3A_6, %dma_start3A_7] : memref<1000000x128xf32, #tpu.memory_space<hbm>> -> memref<1000000x128xf32, #tpu.memory_space<hbm>>
    tpu.enqueue_indirect_dma source(%dma_start3A_8 : memref<1000000x128xf32, #tpu.memory_space<hbm>>) target(%arg6 : memref<128x128xf32, #tpu.memory_space<vmem>>) offsets(%dma_start3A_5 : memref<128xi32, #tpu.memory_space<vmem>>) semaphore(%arg14 : memref<!tpu.dma_semaphore, #tpu.memory_space<semaphore_mem>>)
    %dma_start3A_9 = arith.constant 1 : i32
    %dma_start3A_10 = arith.constant 0 : i32
    %dma_start3A_11 = tpu.memref_slice %arg5[%dma_start3A_9, %dma_start3A_10] : memref<200x128xi32, #tpu.memory_space<vmem>> -> memref<1x128xi32, #tpu.memory_space<vmem>>
    %dma_start3A_12 = tpu.memref_squeeze %dma_start3A_11 : memref<1x128xi32, #tpu.memory_space<vmem>> -> memref<128xi32, #tpu.memory_space<vmem>>
    %dma_start3A_13 = arith.constant 0 : i32
    %dma_start3A_14 = arith.constant 0 : i32
    %dma_start3A_15 = tpu.memref_slice %arg3[%dma_start3A_13, %dma_start3A_14] : memref<1000000x128xf32, #tpu.memory_space<hbm>> -> memref<1000000x128xf32, #tpu.memory_space<hbm>>
    tpu.enqueue_indirect_dma source(%dma_start3A_15 : memref<1000000x128xf32, #tpu.memory_space<hbm>>) target(%arg7 : memref<128x128xf32, #tpu.memory_space<vmem>>) offsets(%dma_start3A_12 : memref<128xi32, #tpu.memory_space<vmem>>) semaphore(%arg15 : memref<!tpu.dma_semaphore, #tpu.memory_space<semaphore_mem>>)
    %dma_start3A_16 = arith.constant 2 : i32
    %dma_start3A_17 = arith.constant 0 : i32
    %dma_start3A_18 = tpu.memref_slice %arg5[%dma_start3A_16, %dma_start3A_17] : memref<200x128xi32, #tpu.memory_space<vmem>> -> memref<1x128xi32, #tpu.memory_space<vmem>>
    %dma_start3A_19 = tpu.memref_squeeze %dma_start3A_18 : memref<1x128xi32, #tpu.memory_space<vmem>> -> memref<128xi32, #tpu.memory_space<vmem>>
    %dma_start3A_20 = arith.constant 0 : i32
    %dma_start3A_21 = arith.constant 0 : i32
    %dma_start3A_22 = tpu.memref_slice %arg3[%dma_start3A_20, %dma_start3A_21] : memref<1000000x128xf32, #tpu.memory_space<hbm>> -> memref<1000000x128xf32, #tpu.memory_space<hbm>>
    tpu.enqueue_indirect_dma source(%dma_start3A_22 : memref<1000000x128xf32, #tpu.memory_space<hbm>>) target(%arg8 : memref<128x128xf32, #tpu.memory_space<vmem>>) offsets(%dma_start3A_19 : memref<128xi32, #tpu.memory_space<vmem>>) semaphore(%arg16 : memref<!tpu.dma_semaphore, #tpu.memory_space<semaphore_mem>>)
    %dma_start3A_23 = arith.constant 3 : i32
    %dma_start3A_24 = arith.constant 0 : i32
    %dma_start3A_25 = tpu.memref_slice %arg5[%dma_start3A_23, %dma_start3A_24] : memref<200x128xi32, #tpu.memory_space<vmem>> -> memref<1x128xi32, #tpu.memory_space<vmem>>
    %dma_start3A_26 = tpu.memref_squeeze %dma_start3A_25 : memref<1x128xi32, #tpu.memory_space<vmem>> -> memref<128xi32, #tpu.memory_space<vmem>>
    %dma_start3A_27 = arith.constant 0 : i32
    %dma_start3A_28 = arith.constant 0 : i32
    %dma_start3A_29 = tpu.memref_slice %arg3[%dma_start3A_27, %dma_start3A_28] : memref<1000000x128xf32, #tpu.memory_space<hbm>> -> memref<1000000x128xf32, #tpu.memory_space<hbm>>
    tpu.enqueue_indirect_dma source(%dma_start3A_29 : memref<1000000x128xf32, #tpu.memory_space<hbm>>) target(%arg9 : memref<128x128xf32, #tpu.memory_space<vmem>>) offsets(%dma_start3A_26 : memref<128xi32, #tpu.memory_space<vmem>>) semaphore(%arg17 : memref<!tpu.dma_semaphore, #tpu.memory_space<semaphore_mem>>)
    %iota3A = tpu.iota {dimensions = array<i32: 0>} : vector<16xi32>
    %add3A_30 = arith.constant 0 : i32
    %add3A_31 = vector.broadcast %add3A_30 : i32 to vector<16xi32>
    %add3A_32 = arith.addi %iota3A, %add3A_31 : vector<16xi32>
    %jit3A = arith.constant 8 : i32
    %div3A = vector.broadcast %jit3A : i32 to vector<16xi32>
    %div3A_33 = arith.divsi %add3A_32, %div3A : vector<16xi32>
    %sign3A = arith.constant 0 : i32
    %sign3A_34 = vector.broadcast %sign3A : i32 to vector<16xi32>
    %sign3A_35 = arith.cmpi sgt, %add3A_32, %sign3A_34 : vector<16xi32>
    %sign3A_36 = arith.extui %sign3A_35 : vector<16xi1> to vector<16xi32>
    %sign3A_37 = arith.constant 0 : i32
    %sign3A_38 = vector.broadcast %sign3A_37 : i32 to vector<16xi32>
    %sign3A_39 = arith.cmpi slt, %add3A_32, %sign3A_38 : vector<16xi32>
    %sign3A_40 = arith.extui %sign3A_39 : vector<16xi1> to vector<16xi32>
    %sign3A_41 = arith.subi %sign3A_36, %sign3A_40 : vector<16xi32>
    %sign3A_42 = arith.constant 0 : i32
    %sign3A_43 = arith.cmpi sgt, %jit3A, %sign3A_42 : i32
    %sign3A_44 = arith.extui %sign3A_43 : i1 to i32
    %sign3A_45 = arith.constant 0 : i32
    %sign3A_46 = arith.cmpi slt, %jit3A, %sign3A_45 : i32
    %sign3A_47 = arith.extui %sign3A_46 : i1 to i32
    %sign3A_48 = arith.subi %sign3A_44, %sign3A_47 : i32
    %ne3A = vector.broadcast %sign3A_48 : i32 to vector<16xi32>
    %ne3A_49 = arith.cmpi ne, %sign3A_41, %ne3A : vector<16xi32>
    %rem3A = vector.broadcast %jit3A : i32 to vector<16xi32>
    %rem3A_50 = arith.remsi %add3A_32, %rem3A : vector<16xi32>
    %ne3A_51 = arith.constant 0 : i32
    %ne3A_52 = vector.broadcast %ne3A_51 : i32 to vector<16xi32>
    %ne3A_53 = arith.cmpi ne, %rem3A_50, %ne3A_52 : vector<16xi32>
    %and3A = arith.andi %ne3A_49, %ne3A_53 : vector<16xi1>
    %sub3A = arith.constant 1 : i32
    %sub3A_54 = vector.broadcast %sub3A : i32 to vector<16xi32>
    %sub3A_55 = arith.subi %div3A_33, %sub3A_54 : vector<16xi32>
    %select_n3A = arith.select %and3A, %sub3A_55, %div3A_33 : vector<16xi1>, vector<16xi32>
    %add3A_56 = arith.constant 16 : i32
    %add3A_57 = vector.broadcast %add3A_56 : i32 to vector<16xi32>
    %add3A_58 = arith.addi %iota3A, %add3A_57 : vector<16xi32>
    %jit3A_59 = arith.constant 8 : i32
    %div3A_60 = vector.broadcast %jit3A_59 : i32 to vector<16xi32>
    %div3A_61 = arith.divsi %add3A_58, %div3A_60 : vector<16xi32>
    %sign3A_62 = arith.constant 0 : i32
    %sign3A_63 = vector.broadcast %sign3A_62 : i32 to vector<16xi32>
    %sign3A_64 = arith.cmpi sgt, %add3A_58, %sign3A_63 : vector<16xi32>
    %sign3A_65 = arith.extui %sign3A_64 : vector<16xi1> to vector<16xi32>
    %sign3A_66 = arith.constant 0 : i32
    %sign3A_67 = vector.broadcast %sign3A_66 : i32 to vector<16xi32>
    %sign3A_68 = arith.cmpi slt, %add3A_58, %sign3A_67 : vector<16xi32>
    %sign3A_69 = arith.extui %sign3A_68 : vector<16xi1> to vector<16xi32>
    %sign3A_70 = arith.subi %sign3A_65, %sign3A_69 : vector<16xi32>
    %sign3A_71 = arith.constant 0 : i32
    %sign3A_72 = arith.cmpi sgt, %jit3A_59, %sign3A_71 : i32
    %sign3A_73 = arith.extui %sign3A_72 : i1 to i32
    %sign3A_74 = arith.constant 0 : i32
    %sign3A_75 = arith.cmpi slt, %jit3A_59, %sign3A_74 : i32
    %sign3A_76 = arith.extui %sign3A_75 : i1 to i32
    %sign3A_77 = arith.subi %sign3A_73, %sign3A_76 : i32
    %ne3A_78 = vector.broadcast %sign3A_77 : i32 to vector<16xi32>
    %ne3A_79 = arith.cmpi ne, %sign3A_70, %ne3A_78 : vector<16xi32>
    %rem3A_80 = vector.broadcast %jit3A_59 : i32 to vector<16xi32>
    %rem3A_81 = arith.remsi %add3A_58, %rem3A_80 : vector<16xi32>
    %ne3A_82 = arith.constant 0 : i32
    %ne3A_83 = vector.broadcast %ne3A_82 : i32 to vector<16xi32>
    %ne3A_84 = arith.cmpi ne, %rem3A_81, %ne3A_83 : vector<16xi32>
    %and3A_85 = arith.andi %ne3A_79, %ne3A_84 : vector<16xi1>
    %sub3A_86 = arith.constant 1 : i32
    %sub3A_87 = vector.broadcast %sub3A_86 : i32 to vector<16xi32>
    %sub3A_88 = arith.subi %div3A_61, %sub3A_87 : vector<16xi32>
    %select_n3A_89 = arith.select %and3A_85, %sub3A_88, %div3A_61 : vector<16xi1>, vector<16xi32>
    %add3A_90 = arith.constant 32 : i32
    %add3A_91 = vector.broadcast %add3A_90 : i32 to vector<16xi32>
    %add3A_92 = arith.addi %iota3A, %add3A_91 : vector<16xi32>
    %jit3A_93 = arith.constant 8 : i32
    %div3A_94 = vector.broadcast %jit3A_93 : i32 to vector<16xi32>
    %div3A_95 = arith.divsi %add3A_92, %div3A_94 : vector<16xi32>
    %sign3A_96 = arith.constant 0 : i32
    %sign3A_97 = vector.broadcast %sign3A_96 : i32 to vector<16xi32>
    %sign3A_98 = arith.cmpi sgt, %add3A_92, %sign3A_97 : vector<16xi32>
    %sign3A_99 = arith.extui %sign3A_98 : vector<16xi1> to vector<16xi32>
    %sign3A_100 = arith.constant 0 : i32
    %sign3A_101 = vector.broadcast %sign3A_100 : i32 to vector<16xi32>
    %sign3A_102 = arith.cmpi slt, %add3A_92, %sign3A_101 : vector<16xi32>
    %sign3A_103 = arith.extui %sign3A_102 : vector<16xi1> to vector<16xi32>
    %sign3A_104 = arith.subi %sign3A_99, %sign3A_103 : vector<16xi32>
    %sign3A_105 = arith.constant 0 : i32
    %sign3A_106 = arith.cmpi sgt, %jit3A_93, %sign3A_105 : i32
    %sign3A_107 = arith.extui %sign3A_106 : i1 to i32
    %sign3A_108 = arith.constant 0 : i32
    %sign3A_109 = arith.cmpi slt, %jit3A_93, %sign3A_108 : i32
    %sign3A_110 = arith.extui %sign3A_109 : i1 to i32
    %sign3A_111 = arith.subi %sign3A_107, %sign3A_110 : i32
    %ne3A_112 = vector.broadcast %sign3A_111 : i32 to vector<16xi32>
    %ne3A_113 = arith.cmpi ne, %sign3A_104, %ne3A_112 : vector<16xi32>
    %rem3A_114 = vector.broadcast %jit3A_93 : i32 to vector<16xi32>
    %rem3A_115 = arith.remsi %add3A_92, %rem3A_114 : vector<16xi32>
    %ne3A_116 = arith.constant 0 : i32
    %ne3A_117 = vector.broadcast %ne3A_116 : i32 to vector<16xi32>
    %ne3A_118 = arith.cmpi ne, %rem3A_115, %ne3A_117 : vector<16xi32>
    %and3A_119 = arith.andi %ne3A_113, %ne3A_118 : vector<16xi1>
    %sub3A_120 = arith.constant 1 : i32
    %sub3A_121 = vector.broadcast %sub3A_120 : i32 to vector<16xi32>
    %sub3A_122 = arith.subi %div3A_95, %sub3A_121 : vector<16xi32>
    %select_n3A_123 = arith.select %and3A_119, %sub3A_122, %div3A_95 : vector<16xi1>, vector<16xi32>
    %add3A_124 = arith.constant 48 : i32
    %add3A_125 = vector.broadcast %add3A_124 : i32 to vector<16xi32>
    %add3A_126 = arith.addi %iota3A, %add3A_125 : vector<16xi32>
    %jit3A_127 = arith.constant 8 : i32
    %div3A_128 = vector.broadcast %jit3A_127 : i32 to vector<16xi32>
    %div3A_129 = arith.divsi %add3A_126, %div3A_128 : vector<16xi32>
    %sign3A_130 = arith.constant 0 : i32
    %sign3A_131 = vector.broadcast %sign3A_130 : i32 to vector<16xi32>
    %sign3A_132 = arith.cmpi sgt, %add3A_126, %sign3A_131 : vector<16xi32>
    %sign3A_133 = arith.extui %sign3A_132 : vector<16xi1> to vector<16xi32>
    %sign3A_134 = arith.constant 0 : i32
    %sign3A_135 = vector.broadcast %sign3A_134 : i32 to vector<16xi32>
    %sign3A_136 = arith.cmpi slt, %add3A_126, %sign3A_135 : vector<16xi32>
    %sign3A_137 = arith.extui %sign3A_136 : vector<16xi1> to vector<16xi32>
    %sign3A_138 = arith.subi %sign3A_133, %sign3A_137 : vector<16xi32>
    %sign3A_139 = arith.constant 0 : i32
    %sign3A_140 = arith.cmpi sgt, %jit3A_127, %sign3A_139 : i32
    %sign3A_141 = arith.extui %sign3A_140 : i1 to i32
    %sign3A_142 = arith.constant 0 : i32
    %sign3A_143 = arith.cmpi slt, %jit3A_127, %sign3A_142 : i32
    %sign3A_144 = arith.extui %sign3A_143 : i1 to i32
    %sign3A_145 = arith.subi %sign3A_141, %sign3A_144 : i32
    %ne3A_146 = vector.broadcast %sign3A_145 : i32 to vector<16xi32>
    %ne3A_147 = arith.cmpi ne, %sign3A_138, %ne3A_146 : vector<16xi32>
    %rem3A_148 = vector.broadcast %jit3A_127 : i32 to vector<16xi32>
    %rem3A_149 = arith.remsi %add3A_126, %rem3A_148 : vector<16xi32>
    %ne3A_150 = arith.constant 0 : i32
    %ne3A_151 = vector.broadcast %ne3A_150 : i32 to vector<16xi32>
    %ne3A_152 = arith.cmpi ne, %rem3A_149, %ne3A_151 : vector<16xi32>
    %and3A_153 = arith.andi %ne3A_147, %ne3A_152 : vector<16xi1>
    %sub3A_154 = arith.constant 1 : i32
    %sub3A_155 = vector.broadcast %sub3A_154 : i32 to vector<16xi32>
    %sub3A_156 = arith.subi %div3A_129, %sub3A_155 : vector<16xi32>
    %select_n3A_157 = arith.select %and3A_153, %sub3A_156, %div3A_129 : vector<16xi1>, vector<16xi32>
    %add3A_158 = arith.constant 0 : i32
    %add3A_159 = vector.broadcast %add3A_158 : i32 to vector<16xi32>
    %add3A_160 = arith.addi %iota3A, %add3A_159 : vector<16xi32>
    %jit3A_161 = arith.constant 8 : i32
    %eq3A = arith.constant 0 : i32
    %eq3A_162 = arith.cmpi eq, %jit3A_161, %eq3A : i32
    %jit3A_163 = arith.constant 1 : i32
    %select_n3A_164 = arith.select %eq3A_162, %jit3A_163, %jit3A_161 : i32
    %rem3A_165 = vector.broadcast %select_n3A_164 : i32 to vector<16xi32>
    %rem3A_166 = arith.remsi %add3A_160, %rem3A_165 : vector<16xi32>
    %ne3A_167 = arith.constant 0 : i32
    %ne3A_168 = vector.broadcast %ne3A_167 : i32 to vector<16xi32>
    %ne3A_169 = arith.cmpi ne, %rem3A_166, %ne3A_168 : vector<16xi32>
    %lt3A = arith.constant 0 : i32
    %lt3A_170 = vector.broadcast %lt3A : i32 to vector<16xi32>
    %lt3A_171 = arith.cmpi slt, %rem3A_166, %lt3A_170 : vector<16xi32>
    %lt3A_172 = arith.constant 0 : i32
    %lt3A_173 = arith.cmpi slt, %select_n3A_164, %lt3A_172 : i32
    %ne3A_174 = vector.broadcast %lt3A_173 : i1 to vector<16xi1>
    %ne3A_175 = vector.broadcast %ne3A_174 : vector<16xi1> to vector<16xi1>
    %ne3A_176 = arith.xori %lt3A_171, %ne3A_175 : vector<16xi1>
    %and3A_177 = arith.andi %ne3A_176, %ne3A_169 : vector<16xi1>
    %add3A_178 = vector.broadcast %select_n3A_164 : i32 to vector<16xi32>
    %add3A_179 = arith.addi %rem3A_166, %add3A_178 : vector<16xi32>
    %select_n3A_180 = arith.select %and3A_177, %add3A_179, %rem3A_166 : vector<16xi1>, vector<16xi32>
    %add3A_181 = arith.constant 16 : i32
    %add3A_182 = vector.broadcast %add3A_181 : i32 to vector<16xi32>
    %add3A_183 = arith.addi %iota3A, %add3A_182 : vector<16xi32>
    %jit3A_184 = arith.constant 8 : i32
    %eq3A_185 = arith.constant 0 : i32
    %eq3A_186 = arith.cmpi eq, %jit3A_184, %eq3A_185 : i32
    %jit3A_187 = arith.constant 1 : i32
    %select_n3A_188 = arith.select %eq3A_186, %jit3A_187, %jit3A_184 : i32
    %rem3A_189 = vector.broadcast %select_n3A_188 : i32 to vector<16xi32>
    %rem3A_190 = arith.remsi %add3A_183, %rem3A_189 : vector<16xi32>
    %ne3A_191 = arith.constant 0 : i32
    %ne3A_192 = vector.broadcast %ne3A_191 : i32 to vector<16xi32>
    %ne3A_193 = arith.cmpi ne, %rem3A_190, %ne3A_192 : vector<16xi32>
    %lt3A_194 = arith.constant 0 : i32
    %lt3A_195 = vector.broadcast %lt3A_194 : i32 to vector<16xi32>
    %lt3A_196 = arith.cmpi slt, %rem3A_190, %lt3A_195 : vector<16xi32>
    %lt3A_197 = arith.constant 0 : i32
    %lt3A_198 = arith.cmpi slt, %select_n3A_188, %lt3A_197 : i32
    %ne3A_199 = vector.broadcast %lt3A_198 : i1 to vector<16xi1>
    %ne3A_200 = vector.broadcast %ne3A_199 : vector<16xi1> to vector<16xi1>
    %ne3A_201 = arith.xori %lt3A_196, %ne3A_200 : vector<16xi1>
    %and3A_202 = arith.andi %ne3A_201, %ne3A_193 : vector<16xi1>
    %add3A_203 = vector.broadcast %select_n3A_188 : i32 to vector<16xi32>
    %add3A_204 = arith.addi %rem3A_190, %add3A_203 : vector<16xi32>
    %select_n3A_205 = arith.select %and3A_202, %add3A_204, %rem3A_190 : vector<16xi1>, vector<16xi32>
    %add3A_206 = arith.constant 32 : i32
    %add3A_207 = vector.broadcast %add3A_206 : i32 to vector<16xi32>
    %add3A_208 = arith.addi %iota3A, %add3A_207 : vector<16xi32>
    %jit3A_209 = arith.constant 8 : i32
    %eq3A_210 = arith.constant 0 : i32
    %eq3A_211 = arith.cmpi eq, %jit3A_209, %eq3A_210 : i32
    %jit3A_212 = arith.constant 1 : i32
    %select_n3A_213 = arith.select %eq3A_211, %jit3A_212, %jit3A_209 : i32
    %rem3A_214 = vector.broadcast %select_n3A_213 : i32 to vector<16xi32>
    %rem3A_215 = arith.remsi %add3A_208, %rem3A_214 : vector<16xi32>
    %ne3A_216 = arith.constant 0 : i32
    %ne3A_217 = vector.broadcast %ne3A_216 : i32 to vector<16xi32>
    %ne3A_218 = arith.cmpi ne, %rem3A_215, %ne3A_217 : vector<16xi32>
    %lt3A_219 = arith.constant 0 : i32
    %lt3A_220 = vector.broadcast %lt3A_219 : i32 to vector<16xi32>
    %lt3A_221 = arith.cmpi slt, %rem3A_215, %lt3A_220 : vector<16xi32>
    %lt3A_222 = arith.constant 0 : i32
    %lt3A_223 = arith.cmpi slt, %select_n3A_213, %lt3A_222 : i32
    %ne3A_224 = vector.broadcast %lt3A_223 : i1 to vector<16xi1>
    %ne3A_225 = vector.broadcast %ne3A_224 : vector<16xi1> to vector<16xi1>
    %ne3A_226 = arith.xori %lt3A_221, %ne3A_225 : vector<16xi1>
    %and3A_227 = arith.andi %ne3A_226, %ne3A_218 : vector<16xi1>
    %add3A_228 = vector.broadcast %select_n3A_213 : i32 to vector<16xi32>
    %add3A_229 = arith.addi %rem3A_215, %add3A_228 : vector<16xi32>
    %select_n3A_230 = arith.select %and3A_227, %add3A_229, %rem3A_215 : vector<16xi1>, vector<16xi32>
    %add3A_231 = arith.constant 48 : i32
    %add3A_232 = vector.broadcast %add3A_231 : i32 to vector<16xi32>
    %add3A_233 = arith.addi %iota3A, %add3A_232 : vector<16xi32>
    %jit3A_234 = arith.constant 8 : i32
    %eq3A_235 = arith.constant 0 : i32
    %eq3A_236 = arith.cmpi eq, %jit3A_234, %eq3A_235 : i32
    %jit3A_237 = arith.constant 1 : i32
    %select_n3A_238 = arith.select %eq3A_236, %jit3A_237, %jit3A_234 : i32
    %rem3A_239 = vector.broadcast %select_n3A_238 : i32 to vector<16xi32>
    %rem3A_240 = arith.remsi %add3A_233, %rem3A_239 : vector<16xi32>
    %ne3A_241 = arith.constant 0 : i32
    %ne3A_242 = vector.broadcast %ne3A_241 : i32 to vector<16xi32>
    %ne3A_243 = arith.cmpi ne, %rem3A_240, %ne3A_242 : vector<16xi32>
    %lt3A_244 = arith.constant 0 : i32
    %lt3A_245 = vector.broadcast %lt3A_244 : i32 to vector<16xi32>
    %lt3A_246 = arith.cmpi slt, %rem3A_240, %lt3A_245 : vector<16xi32>
    %lt3A_247 = arith.constant 0 : i32
    %lt3A_248 = arith.cmpi slt, %select_n3A_238, %lt3A_247 : i32
    %ne3A_249 = vector.broadcast %lt3A_248 : i1 to vector<16xi1>
    %ne3A_250 = vector.broadcast %ne3A_249 : vector<16xi1> to vector<16xi1>
    %ne3A_251 = arith.xori %lt3A_246, %ne3A_250 : vector<16xi1>
    %and3A_252 = arith.andi %ne3A_251, %ne3A_243 : vector<16xi1>
    %add3A_253 = vector.broadcast %select_n3A_238 : i32 to vector<16xi32>
    %add3A_254 = arith.addi %rem3A_240, %add3A_253 : vector<16xi32>
    %select_n3A_255 = arith.select %and3A_252, %add3A_254, %rem3A_240 : vector<16xi1>, vector<16xi32>
    %scan3A = arith.constant 0 : i32
    %scan3A_256 = arith.constant 50 : i32
    %scan3A_257 = arith.addi %scan3A, %scan3A_256 : i32
    %scan3A_258 = arith.constant 1 : i32
    scf.for %scan3A_335 = %scan3A to %scan3A_257 step %scan3A_258  : i32 {
      %mul3A_336 = arith.constant 4 : i32
      %mul3A_337 = arith.muli %scan3A_335, %mul3A_336 : i32
      %add3A_338 = arith.constant 0 : i32
      %add3A_339 = arith.addi %add3A_338, %mul3A_337 : i32
      %add3A_340 = arith.constant 0 : i32
      %add3A_341 = arith.addi %add3A_339, %add3A_340 : i32
      %dma_wait3A_342 = arith.constant 0 : i32
      %dma_wait3A_343 = tpu.memref_slice %arg5[%add3A_341, %dma_wait3A_342] : memref<200x128xi32, #tpu.memory_space<vmem>> -> memref<1x128xi32, #tpu.memory_space<vmem>>
      %dma_wait3A_344 = tpu.memref_squeeze %dma_wait3A_343 : memref<1x128xi32, #tpu.memory_space<vmem>> -> memref<128xi32, #tpu.memory_space<vmem>>
      %dma_wait3A_345 = arith.constant 0 : i32
      %dma_wait3A_346 = arith.constant 0 : i32
      %dma_wait3A_347 = tpu.memref_slice %arg3[%dma_wait3A_345, %dma_wait3A_346] : memref<1000000x128xf32, #tpu.memory_space<hbm>> -> memref<1000000x128xf32, #tpu.memory_space<hbm>>
      tpu.wait_indirect_dma semaphore(%arg14 : memref<!tpu.dma_semaphore, #tpu.memory_space<semaphore_mem>>) src(%dma_wait3A_347 : memref<1000000x128xf32, #tpu.memory_space<hbm>>) dst(%arg6 : memref<128x128xf32, #tpu.memory_space<vmem>>)
      %ge3A = arith.constant 4 : i32
      %ge3A_348 = arith.cmpi sge, %add3A_341, %ge3A : i32
      %convert_element_type3A = arith.extui %ge3A_348 : i1 to i32
      %cond3A = arith.constant 0 : i32
      %cond3A_349 = arith.cmpi ne, %convert_element_type3A, %cond3A : i32
      scf.if %cond3A_349 {
        %sub3A_509 = arith.constant 4 : i32
        %sub3A_510 = arith.subi %add3A_341, %sub3A_509 : i32
        %dma_wait3A_511 = arith.constant 0 : i32
        %dma_wait3A_512 = arith.constant 0 : i32
        %dma_wait3A_513 = arith.constant 0 : i32
        %dma_wait3A_514 = tpu.memref_slice %arg10[%dma_wait3A_511, %dma_wait3A_512, %dma_wait3A_513] : memref<8x8x129xf32, #tpu.memory_space<vmem>> -> memref<8x8x128xf32, #tpu.memory_space<vmem>>
        %dma_wait3A_515 = arith.constant 0 : i32
        %dma_wait3A_516 = arith.constant 0 : i32
        %dma_wait3A_517 = arith.constant 0 : i32
        %dma_wait3A_518 = tpu.memref_slice %arg4[%sub3A_510, %dma_wait3A_515, %add3A, %dma_wait3A_516, %dma_wait3A_517] : memref<200x8x32x8x128xf32, #tpu.memory_space<hbm>> -> memref<1x8x1x8x128xf32, #tpu.memory_space<hbm>>
        %dma_wait3A_519 = tpu.memref_squeeze %dma_wait3A_518 : memref<1x8x1x8x128xf32, #tpu.memory_space<hbm>> -> memref<8x8x128xf32, #tpu.memory_space<hbm>>
        %dma_wait3A_520 = arith.constant 0 : i32
        %dma_wait3A_521 = arith.constant 0 : i32
        %dma_wait3A_522 = arith.constant 0 : i32
        %dma_wait3A_523 = tpu.memref_slice %arg4[%sub3A_510, %dma_wait3A_520, %add3A, %dma_wait3A_521, %dma_wait3A_522] : memref<200x8x32x8x128xf32, #tpu.memory_space<hbm>> -> memref<1x8x1x8x128xf32, #tpu.memory_space<hbm>>
        %dma_wait3A_524 = tpu.memref_squeeze %dma_wait3A_523 : memref<1x8x1x8x128xf32, #tpu.memory_space<hbm>> -> memref<8x8x128xf32, #tpu.memory_space<hbm>>
        %dma_wait3A_525 = arith.constant 0 : i32
        %dma_wait3A_526 = arith.constant 0 : i32
        %dma_wait3A_527 = arith.constant 0 : i32
        %dma_wait3A_528 = tpu.memref_slice %arg10[%dma_wait3A_525, %dma_wait3A_526, %dma_wait3A_527] : memref<8x8x129xf32, #tpu.memory_space<vmem>> -> memref<8x8x128xf32, #tpu.memory_space<vmem>>
        tpu.wait_dma2 semaphore(%arg18 : memref<!tpu.dma_semaphore, #tpu.memory_space<semaphore_mem>>) src(%dma_wait3A_528 : memref<8x8x128xf32, #tpu.memory_space<vmem>>) dst(%dma_wait3A_524 : memref<8x8x128xf32, #tpu.memory_space<hbm>>)
      } else {
      }
      %scan3A_350 = arith.constant 0 : i32
      %scan3A_351 = arith.constant 64 : i32
      %scan3A_352 = arith.addi %scan3A_350, %scan3A_351 : i32
      %scan3A_353 = arith.constant 2 : i32
      scf.for %scan3A_509 = %scan3A_350 to %scan3A_352 step %scan3A_353  : i32 {
        %mul3A_510 = arith.constant 2 : i32
        %mul3A_511 = arith.muli %scan3A_509, %mul3A_510 : i32
        %add3A_512 = arith.constant 0 : i32
        %add3A_513 = arith.addi %add3A_512, %mul3A_511 : i32
        %broadcast_in_dim3A = arith.constant 0 : i32
        %broadcast_in_dim3A_514 = vector.broadcast %broadcast_in_dim3A : i32 to vector<16xi32>
        %add3A_515 = vector.broadcast %add3A_513 : i32 to vector<16xi32>
        %add3A_516 = arith.addi %broadcast_in_dim3A_514, %add3A_515 : vector<16xi32>
        %add3A_517 = arith.constant 1 : i32
        %add3A_518 = vector.broadcast %add3A_517 : i32 to vector<16xi32>
        %add3A_519 = arith.addi %add3A_516, %add3A_518 : vector<16xi32>
        %get3A = arith.index_cast %add3A_513 : i32 to index
        %get3A_520 = arith.constant 0 : index
        %get3A_521 = tpu.vector_load %arg6[%get3A, %get3A_520] {strides = array<i32>} : memref<128x128xf32, #tpu.memory_space<vmem>>, vector<16xf32>,
        %get3A_522 = arith.index_cast %add3A_513 : i32 to index
        %get3A_523 = arith.constant 16 : index
        %get3A_524 = tpu.vector_load %arg6[%get3A_522, %get3A_523] {strides = array<i32>} : memref<128x128xf32, #tpu.memory_space<vmem>>, vector<16xf32>,
        %get3A_525 = arith.index_cast %add3A_513 : i32 to index
        %get3A_526 = arith.constant 32 : index
        %get3A_527 = tpu.vector_load %arg6[%get3A_525, %get3A_526] {strides = array<i32>} : memref<128x128xf32, #tpu.memory_space<vmem>>, vector<16xf32>,
        %get3A_528 = arith.index_cast %add3A_513 : i32 to index
        %get3A_529 = arith.constant 48 : index
        %get3A_530 = tpu.vector_load %arg6[%get3A_528, %get3A_529] {strides = array<i32>} : memref<128x128xf32, #tpu.memory_space<vmem>>, vector<16xf32>,
        %add3A_531 = arith.constant 1 : i32
        %add3A_532 = arith.addi %add3A_513, %add3A_531 : i32
        %get3A_533 = arith.index_cast %add3A_532 : i32 to index
        %get3A_534 = arith.constant 0 : index
        %get3A_535 = tpu.vector_load %arg6[%get3A_533, %get3A_534] {strides = array<i32>} : memref<128x128xf32, #tpu.memory_space<vmem>>, vector<16xf32>,
        %add3A_536 = arith.constant 1 : i32
        %add3A_537 = arith.addi %add3A_513, %add3A_536 : i32
        %get3A_538 = arith.index_cast %add3A_537 : i32 to index
        %get3A_539 = arith.constant 16 : index
        %get3A_540 = tpu.vector_load %arg6[%get3A_538, %get3A_539] {strides = array<i32>} : memref<128x128xf32, #tpu.memory_space<vmem>>, vector<16xf32>,
        %add3A_541 = arith.constant 1 : i32
        %add3A_542 = arith.addi %add3A_513, %add3A_541 : i32
        %get3A_543 = arith.index_cast %add3A_542 : i32 to index
        %get3A_544 = arith.constant 32 : index
        %get3A_545 = tpu.vector_load %arg6[%get3A_543, %get3A_544] {strides = array<i32>} : memref<128x128xf32, #tpu.memory_space<vmem>>, vector<16xf32>,
        %add3A_546 = arith.constant 1 : i32
        %add3A_547 = arith.addi %add3A_513, %add3A_546 : i32
        %get3A_548 = arith.index_cast %add3A_547 : i32 to index
        %get3A_549 = arith.constant 48 : index
        %get3A_550 = tpu.vector_load %arg6[%get3A_548, %get3A_549] {strides = array<i32>} : memref<128x128xf32, #tpu.memory_space<vmem>>, vector<16xf32>,
        %mul3A_551 = arith.constant 8.000000e+00 : f32
        %mul3A_552 = vector.broadcast %mul3A_551 : f32 to vector<16xf32>
        %mul3A_553 = arith.mulf %get3A_521, %mul3A_552 : vector<16xf32>
        %mul3A_554 = arith.constant 8.000000e+00 : f32
        %mul3A_555 = vector.broadcast %mul3A_554 : f32 to vector<16xf32>
        %mul3A_556 = arith.mulf %get3A_524, %mul3A_555 : vector<16xf32>
        %mul3A_557 = arith.constant 8.000000e+00 : f32
        %mul3A_558 = vector.broadcast %mul3A_557 : f32 to vector<16xf32>
        %mul3A_559 = arith.mulf %get3A_527, %mul3A_558 : vector<16xf32>
        %mul3A_560 = arith.constant 8.000000e+00 : f32
        %mul3A_561 = vector.broadcast %mul3A_560 : f32 to vector<16xf32>
        %mul3A_562 = arith.mulf %get3A_530, %mul3A_561 : vector<16xf32>
        %mul3A_563 = arith.constant 8.000000e+00 : f32
        %mul3A_564 = vector.broadcast %mul3A_563 : f32 to vector<16xf32>
        %mul3A_565 = arith.mulf %get3A_535, %mul3A_564 : vector<16xf32>
        %mul3A_566 = arith.constant 8.000000e+00 : f32
        %mul3A_567 = vector.broadcast %mul3A_566 : f32 to vector<16xf32>
        %mul3A_568 = arith.mulf %get3A_540, %mul3A_567 : vector<16xf32>
        %mul3A_569 = arith.constant 8.000000e+00 : f32
        %mul3A_570 = vector.broadcast %mul3A_569 : f32 to vector<16xf32>
        %mul3A_571 = arith.mulf %get3A_545, %mul3A_570 : vector<16xf32>
        %mul3A_572 = arith.constant 8.000000e+00 : f32
        %mul3A_573 = vector.broadcast %mul3A_572 : f32 to vector<16xf32>
        %mul3A_574 = arith.mulf %get3A_550, %mul3A_573 : vector<16xf32>
        tpu.vector_store_idx %arg10[%select_n3A, %select_n3A_180, %add3A_516], %mul3A_553 : memref<8x8x129xf32, #tpu.memory_space<vmem>>[vector<16xi32>, vector<16xi32>, vector<16xi32>], vector<16xf32>,
        tpu.vector_store_idx %arg10[%select_n3A_89, %select_n3A_205, %add3A_516], %mul3A_556 : memref<8x8x129xf32, #tpu.memory_space<vmem>>[vector<16xi32>, vector<16xi32>, vector<16xi32>], vector<16xf32>,
        tpu.vector_store_idx %arg10[%select_n3A_123, %select_n3A_230, %add3A_516], %mul3A_559 : memref<8x8x129xf32, #tpu.memory_space<vmem>>[vector<16xi32>, vector<16xi32>, vector<16xi32>], vector<16xf32>,
        tpu.vector_store_idx %arg10[%select_n3A_157, %select_n3A_255, %add3A_516], %mul3A_562 : memref<8x8x129xf32, #tpu.memory_space<vmem>>[vector<16xi32>, vector<16xi32>, vector<16xi32>], vector<16xf32>,
        tpu.vector_store_idx %arg10[%select_n3A, %select_n3A_180, %add3A_519], %mul3A_565 : memref<8x8x129xf32, #tpu.memory_space<vmem>>[vector<16xi32>, vector<16xi32>, vector<16xi32>], vector<16xf32>,
        tpu.vector_store_idx %arg10[%select_n3A_89, %select_n3A_205, %add3A_519], %mul3A_568 : memref<8x8x129xf32, #tpu.memory_space<vmem>>[vector<16xi32>, vector<16xi32>, vector<16xi32>], vector<16xf32>,
        tpu.vector_store_idx %arg10[%select_n3A_123, %select_n3A_230, %add3A_519], %mul3A_571 : memref<8x8x129xf32, #tpu.memory_space<vmem>>[vector<16xi32>, vector<16xi32>, vector<16xi32>], vector<16xf32>,
        tpu.vector_store_idx %arg10[%select_n3A_157, %select_n3A_255, %add3A_519], %mul3A_574 : memref<8x8x129xf32, #tpu.memory_space<vmem>>[vector<16xi32>, vector<16xi32>, vector<16xi32>], vector<16xf32>,
        %scan3A_575 = arith.constant 1 : i32
        %scan3A_576 = arith.addi %scan3A_509, %scan3A_575 : i32
        %mul3A_577 = arith.constant 2 : i32
        %mul3A_578 = arith.muli %scan3A_576, %mul3A_577 : i32
        %add3A_579 = arith.constant 0 : i32
        %add3A_580 = arith.addi %add3A_579, %mul3A_578 : i32
        %broadcast_in_dim3A_581 = arith.constant 0 : i32
        %broadcast_in_dim3A_582 = vector.broadcast %broadcast_in_dim3A_581 : i32 to vector<16xi32>
        %add3A_583 = vector.broadcast %add3A_580 : i32 to vector<16xi32>
        %add3A_584 = arith.addi %broadcast_in_dim3A_582, %add3A_583 : vector<16xi32>
        %add3A_585 = arith.constant 1 : i32
        %add3A_586 = vector.broadcast %add3A_585 : i32 to vector<16xi32>
        %add3A_587 = arith.addi %add3A_584, %add3A_586 : vector<16xi32>
        %get3A_588 = arith.index_cast %add3A_580 : i32 to index
        %get3A_589 = arith.constant 0 : index
        %get3A_590 = tpu.vector_load %arg6[%get3A_588, %get3A_589] {strides = array<i32>} : memref<128x128xf32, #tpu.memory_space<vmem>>, vector<16xf32>,
        %get3A_591 = arith.index_cast %add3A_580 : i32 to index
        %get3A_592 = arith.constant 16 : index
        %get3A_593 = tpu.vector_load %arg6[%get3A_591, %get3A_592] {strides = array<i32>} : memref<128x128xf32, #tpu.memory_space<vmem>>, vector<16xf32>,
        %get3A_594 = arith.index_cast %add3A_580 : i32 to index
        %get3A_595 = arith.constant 32 : index
        %get3A_596 = tpu.vector_load %arg6[%get3A_594, %get3A_595] {strides = array<i32>} : memref<128x128xf32, #tpu.memory_space<vmem>>, vector<16xf32>,
        %get3A_597 = arith.index_cast %add3A_580 : i32 to index
        %get3A_598 = arith.constant 48 : index
        %get3A_599 = tpu.vector_load %arg6[%get3A_597, %get3A_598] {strides = array<i32>} : memref<128x128xf32, #tpu.memory_space<vmem>>, vector<16xf32>,
        %add3A_600 = arith.constant 1 : i32
        %add3A_601 = arith.addi %add3A_580, %add3A_600 : i32
        %get3A_602 = arith.index_cast %add3A_601 : i32 to index
        %get3A_603 = arith.constant 0 : index
        %get3A_604 = tpu.vector_load %arg6[%get3A_602, %get3A_603] {strides = array<i32>} : memref<128x128xf32, #tpu.memory_space<vmem>>, vector<16xf32>,
        %add3A_605 = arith.constant 1 : i32
        %add3A_606 = arith.addi %add3A_580, %add3A_605 : i32
        %get3A_607 = arith.index_cast %add3A_606 : i32 to index
        %get3A_608 = arith.constant 16 : index
        %get3A_609 = tpu.vector_load %arg6[%get3A_607, %get3A_608] {strides = array<i32>} : memref<128x128xf32, #tpu.memory_space<vmem>>, vector<16xf32>,
        %add3A_610 = arith.constant 1 : i32
        %add3A_611 = arith.addi %add3A_580, %add3A_610 : i32
        %get3A_612 = arith.index_cast %add3A_611 : i32 to index
        %get3A_613 = arith.constant 32 : index
        %get3A_614 = tpu.vector_load %arg6[%get3A_612, %get3A_613] {strides = array<i32>} : memref<128x128xf32, #tpu.memory_space<vmem>>, vector<16xf32>,
        %add3A_615 = arith.constant 1 : i32
        %add3A_616 = arith.addi %add3A_580, %add3A_615 : i32
        %get3A_617 = arith.index_cast %add3A_616 : i32 to index
        %get3A_618 = arith.constant 48 : index
        %get3A_619 = tpu.vector_load %arg6[%get3A_617, %get3A_618] {strides = array<i32>} : memref<128x128xf32, #tpu.memory_space<vmem>>, vector<16xf32>,
        %mul3A_620 = arith.constant 8.000000e+00 : f32
        %mul3A_621 = vector.broadcast %mul3A_620 : f32 to vector<16xf32>
        %mul3A_622 = arith.mulf %get3A_590, %mul3A_621 : vector<16xf32>
        %mul3A_623 = arith.constant 8.000000e+00 : f32
        %mul3A_624 = vector.broadcast %mul3A_623 : f32 to vector<16xf32>
        %mul3A_625 = arith.mulf %get3A_593, %mul3A_624 : vector<16xf32>
        %mul3A_626 = arith.constant 8.000000e+00 : f32
        %mul3A_627 = vector.broadcast %mul3A_626 : f32 to vector<16xf32>
        %mul3A_628 = arith.mulf %get3A_596, %mul3A_627 : vector<16xf32>
        %mul3A_629 = arith.constant 8.000000e+00 : f32
        %mul3A_630 = vector.broadcast %mul3A_629 : f32 to vector<16xf32>
        %mul3A_631 = arith.mulf %get3A_599, %mul3A_630 : vector<16xf32>
        %mul3A_632 = arith.constant 8.000000e+00 : f32
        %mul3A_633 = vector.broadcast %mul3A_632 : f32 to vector<16xf32>
        %mul3A_634 = arith.mulf %get3A_604, %mul3A_633 : vector<16xf32>
        %mul3A_635 = arith.constant 8.000000e+00 : f32
        %mul3A_636 = vector.broadcast %mul3A_635 : f32 to vector<16xf32>
        %mul3A_637 = arith.mulf %get3A_609, %mul3A_636 : vector<16xf32>
        %mul3A_638 = arith.constant 8.000000e+00 : f32
        %mul3A_639 = vector.broadcast %mul3A_638 : f32 to vector<16xf32>
        %mul3A_640 = arith.mulf %get3A_614, %mul3A_639 : vector<16xf32>
        %mul3A_641 = arith.constant 8.000000e+00 : f32
        %mul3A_642 = vector.broadcast %mul3A_641 : f32 to vector<16xf32>
        %mul3A_643 = arith.mulf %get3A_619, %mul3A_642 : vector<16xf32>
        tpu.vector_store_idx %arg10[%select_n3A, %select_n3A_180, %add3A_584], %mul3A_622 : memref<8x8x129xf32, #tpu.memory_space<vmem>>[vector<16xi32>, vector<16xi32>, vector<16xi32>], vector<16xf32>,
        tpu.vector_store_idx %arg10[%select_n3A_89, %select_n3A_205, %add3A_584], %mul3A_625 : memref<8x8x129xf32, #tpu.memory_space<vmem>>[vector<16xi32>, vector<16xi32>, vector<16xi32>], vector<16xf32>,
        tpu.vector_store_idx %arg10[%select_n3A_123, %select_n3A_230, %add3A_584], %mul3A_628 : memref<8x8x129xf32, #tpu.memory_space<vmem>>[vector<16xi32>, vector<16xi32>, vector<16xi32>], vector<16xf32>,
        tpu.vector_store_idx %arg10[%select_n3A_157, %select_n3A_255, %add3A_584], %mul3A_631 : memref<8x8x129xf32, #tpu.memory_space<vmem>>[vector<16xi32>, vector<16xi32>, vector<16xi32>], vector<16xf32>,
        tpu.vector_store_idx %arg10[%select_n3A, %select_n3A_180, %add3A_587], %mul3A_634 : memref<8x8x129xf32, #tpu.memory_space<vmem>>[vector<16xi32>, vector<16xi32>, vector<16xi32>], vector<16xf32>,
        tpu.vector_store_idx %arg10[%select_n3A_89, %select_n3A_205, %add3A_587], %mul3A_637 : memref<8x8x129xf32, #tpu.memory_space<vmem>>[vector<16xi32>, vector<16xi32>, vector<16xi32>], vector<16xf32>,
        tpu.vector_store_idx %arg10[%select_n3A_123, %select_n3A_230, %add3A_587], %mul3A_640 : memref<8x8x129xf32, #tpu.memory_space<vmem>>[vector<16xi32>, vector<16xi32>, vector<16xi32>], vector<16xf32>,
        tpu.vector_store_idx %arg10[%select_n3A_157, %select_n3A_255, %add3A_587], %mul3A_643 : memref<8x8x129xf32, #tpu.memory_space<vmem>>[vector<16xi32>, vector<16xi32>, vector<16xi32>], vector<16xf32>,
      }
      %scan3A_354 = arith.constant 64 : i32
      %add3A_355 = arith.constant 4 : i32
      %add3A_356 = arith.addi %add3A_341, %add3A_355 : i32
      %lt3A_357 = arith.constant 200 : i32
      %lt3A_358 = arith.cmpi slt, %add3A_356, %lt3A_357 : i32
      %convert_element_type3A_359 = arith.extui %lt3A_358 : i1 to i32
      %cond3A_360 = arith.constant 0 : i32
      %cond3A_361 = arith.cmpi ne, %convert_element_type3A_359, %cond3A_360 : i32
      scf.if %cond3A_361 {
        %add3A_509 = arith.constant 4 : i32
        %add3A_510 = arith.addi %add3A_341, %add3A_509 : i32
        %dma_start3A_511 = arith.constant 0 : i32
        %dma_start3A_512 = tpu.memref_slice %arg5[%add3A_510, %dma_start3A_511] : memref<200x128xi32, #tpu.memory_space<vmem>> -> memref<1x128xi32, #tpu.memory_space<vmem>>
        %dma_start3A_513 = tpu.memref_squeeze %dma_start3A_512 : memref<1x128xi32, #tpu.memory_space<vmem>> -> memref<128xi32, #tpu.memory_space<vmem>>
        %dma_start3A_514 = arith.constant 0 : i32
        %dma_start3A_515 = arith.constant 0 : i32
        %dma_start3A_516 = tpu.memref_slice %arg3[%dma_start3A_514, %dma_start3A_515] : memref<1000000x128xf32, #tpu.memory_space<hbm>> -> memref<1000000x128xf32, #tpu.memory_space<hbm>>
        tpu.enqueue_indirect_dma source(%dma_start3A_516 : memref<1000000x128xf32, #tpu.memory_space<hbm>>) target(%arg6 : memref<128x128xf32, #tpu.memory_space<vmem>>) offsets(%dma_start3A_513 : memref<128xi32, #tpu.memory_space<vmem>>) semaphore(%arg14 : memref<!tpu.dma_semaphore, #tpu.memory_space<semaphore_mem>>)
      } else {
      }
      %dma_start3A_362 = arith.constant 0 : i32
      %dma_start3A_363 = arith.constant 0 : i32
      %dma_start3A_364 = arith.constant 0 : i32
      %dma_start3A_365 = tpu.memref_slice %arg10[%dma_start3A_362, %dma_start3A_363, %dma_start3A_364] : memref<8x8x129xf32, #tpu.memory_space<vmem>> -> memref<8x8x128xf32, #tpu.memory_space<vmem>>
      %dma_start3A_366 = arith.constant 0 : i32
      %dma_start3A_367 = arith.constant 0 : i32
      %dma_start3A_368 = arith.constant 0 : i32
      %dma_start3A_369 = tpu.memref_slice %arg4[%add3A_341, %dma_start3A_366, %add3A, %dma_start3A_367, %dma_start3A_368] : memref<200x8x32x8x128xf32, #tpu.memory_space<hbm>> -> memref<1x8x1x8x128xf32, #tpu.memory_space<hbm>>
      %dma_start3A_370 = tpu.memref_squeeze %dma_start3A_369 : memref<1x8x1x8x128xf32, #tpu.memory_space<hbm>> -> memref<8x8x128xf32, #tpu.memory_space<hbm>>
      %dma_start3A_371 = arith.constant 0 : i32
      %dma_start3A_372 = arith.constant 0 : i32
      %dma_start3A_373 = arith.constant 0 : i32
      %dma_start3A_374 = tpu.memref_slice %arg4[%add3A_341, %dma_start3A_371, %add3A, %dma_start3A_372, %dma_start3A_373] : memref<200x8x32x8x128xf32, #tpu.memory_space<hbm>> -> memref<1x8x1x8x128xf32, #tpu.memory_space<hbm>>
      %dma_start3A_375 = tpu.memref_squeeze %dma_start3A_374 : memref<1x8x1x8x128xf32, #tpu.memory_space<hbm>> -> memref<8x8x128xf32, #tpu.memory_space<hbm>>
      %dma_start3A_376 = arith.constant 0 : i32
      %dma_start3A_377 = arith.constant 0 : i32
      %dma_start3A_378 = arith.constant 0 : i32
      %dma_start3A_379 = tpu.memref_slice %arg10[%dma_start3A_376, %dma_start3A_377, %dma_start3A_378] : memref<8x8x129xf32, #tpu.memory_space<vmem>> -> memref<8x8x128xf32, #tpu.memory_space<vmem>>
      tpu.enqueue_dma source(%dma_start3A_379 : memref<8x8x128xf32, #tpu.memory_space<vmem>>) target(%dma_start3A_375 : memref<8x8x128xf32, #tpu.memory_space<hbm>>) target_semaphore(%arg18 : memref<!tpu.dma_semaphore, #tpu.memory_space<semaphore_mem>>)
      %add3A_380 = arith.constant 1 : i32
      %add3A_381 = arith.addi %add3A_339, %add3A_380 : i32
      %dma_wait3A_382 = arith.constant 0 : i32
      %dma_wait3A_383 = tpu.memref_slice %arg5[%add3A_381, %dma_wait3A_382] : memref<200x128xi32, #tpu.memory_space<vmem>> -> memref<1x128xi32, #tpu.memory_space<vmem>>
      %dma_wait3A_384 = tpu.memref_squeeze %dma_wait3A_383 : memref<1x128xi32, #tpu.memory_space<vmem>> -> memref<128xi32, #tpu.memory_space<vmem>>
      %dma_wait3A_385 = arith.constant 0 : i32
      %dma_wait3A_386 = arith.constant 0 : i32
      %dma_wait3A_387 = tpu.memref_slice %arg3[%dma_wait3A_385, %dma_wait3A_386] : memref<1000000x128xf32, #tpu.memory_space<hbm>> -> memref<1000000x128xf32, #tpu.memory_space<hbm>>
      tpu.wait_indirect_dma semaphore(%arg15 : memref<!tpu.dma_semaphore, #tpu.memory_space<semaphore_mem>>) src(%dma_wait3A_387 : memref<1000000x128xf32, #tpu.memory_space<hbm>>) dst(%arg7 : memref<128x128xf32, #tpu.memory_space<vmem>>)
      %ge3A_388 = arith.constant 4 : i32
      %ge3A_389 = arith.cmpi sge, %add3A_381, %ge3A_388 : i32
      %convert_element_type3A_390 = arith.extui %ge3A_389 : i1 to i32
      %cond3A_391 = arith.constant 0 : i32
      %cond3A_392 = arith.cmpi ne, %convert_element_type3A_390, %cond3A_391 : i32
      scf.if %cond3A_392 {
        %sub3A_509 = arith.constant 4 : i32
        %sub3A_510 = arith.subi %add3A_381, %sub3A_509 : i32
        %dma_wait3A_511 = arith.constant 0 : i32
        %dma_wait3A_512 = arith.constant 0 : i32
        %dma_wait3A_513 = arith.constant 0 : i32
        %dma_wait3A_514 = tpu.memref_slice %arg11[%dma_wait3A_511, %dma_wait3A_512, %dma_wait3A_513] : memref<8x8x129xf32, #tpu.memory_space<vmem>> -> memref<8x8x128xf32, #tpu.memory_space<vmem>>
        %dma_wait3A_515 = arith.constant 0 : i32
        %dma_wait3A_516 = arith.constant 0 : i32
        %dma_wait3A_517 = arith.constant 0 : i32
        %dma_wait3A_518 = tpu.memref_slice %arg4[%sub3A_510, %dma_wait3A_515, %add3A, %dma_wait3A_516, %dma_wait3A_517] : memref<200x8x32x8x128xf32, #tpu.memory_space<hbm>> -> memref<1x8x1x8x128xf32, #tpu.memory_space<hbm>>
        %dma_wait3A_519 = tpu.memref_squeeze %dma_wait3A_518 : memref<1x8x1x8x128xf32, #tpu.memory_space<hbm>> -> memref<8x8x128xf32, #tpu.memory_space<hbm>>
        %dma_wait3A_520 = arith.constant 0 : i32
        %dma_wait3A_521 = arith.constant 0 : i32
        %dma_wait3A_522 = arith.constant 0 : i32
        %dma_wait3A_523 = tpu.memref_slice %arg4[%sub3A_510, %dma_wait3A_520, %add3A, %dma_wait3A_521, %dma_wait3A_522] : memref<200x8x32x8x128xf32, #tpu.memory_space<hbm>> -> memref<1x8x1x8x128xf32, #tpu.memory_space<hbm>>
        %dma_wait3A_524 = tpu.memref_squeeze %dma_wait3A_523 : memref<1x8x1x8x128xf32, #tpu.memory_space<hbm>> -> memref<8x8x128xf32, #tpu.memory_space<hbm>>
        %dma_wait3A_525 = arith.constant 0 : i32
        %dma_wait3A_526 = arith.constant 0 : i32
        %dma_wait3A_527 = arith.constant 0 : i32
        %dma_wait3A_528 = tpu.memref_slice %arg11[%dma_wait3A_525, %dma_wait3A_526, %dma_wait3A_527] : memref<8x8x129xf32, #tpu.memory_space<vmem>> -> memref<8x8x128xf32, #tpu.memory_space<vmem>>
        tpu.wait_dma2 semaphore(%arg19 : memref<!tpu.dma_semaphore, #tpu.memory_space<semaphore_mem>>) src(%dma_wait3A_528 : memref<8x8x128xf32, #tpu.memory_space<vmem>>) dst(%dma_wait3A_524 : memref<8x8x128xf32, #tpu.memory_space<hbm>>)
      } else {
      }
      %scan3A_393 = arith.constant 0 : i32
      %scan3A_394 = arith.constant 64 : i32
      %scan3A_395 = arith.addi %scan3A_393, %scan3A_394 : i32
      %scan3A_396 = arith.constant 2 : i32
      scf.for %scan3A_509 = %scan3A_393 to %scan3A_395 step %scan3A_396  : i32 {
        %mul3A_510 = arith.constant 2 : i32
        %mul3A_511 = arith.muli %scan3A_509, %mul3A_510 : i32
        %add3A_512 = arith.constant 0 : i32
        %add3A_513 = arith.addi %add3A_512, %mul3A_511 : i32
        %broadcast_in_dim3A = arith.constant 0 : i32
        %broadcast_in_dim3A_514 = vector.broadcast %broadcast_in_dim3A : i32 to vector<16xi32>
        %add3A_515 = vector.broadcast %add3A_513 : i32 to vector<16xi32>
        %add3A_516 = arith.addi %broadcast_in_dim3A_514, %add3A_515 : vector<16xi32>
        %add3A_517 = arith.constant 1 : i32
        %add3A_518 = vector.broadcast %add3A_517 : i32 to vector<16xi32>
        %add3A_519 = arith.addi %add3A_516, %add3A_518 : vector<16xi32>
        %get3A = arith.index_cast %add3A_513 : i32 to index
        %get3A_520 = arith.constant 0 : index
        %get3A_521 = tpu.vector_load %arg7[%get3A, %get3A_520] {strides = array<i32>} : memref<128x128xf32, #tpu.memory_space<vmem>>, vector<16xf32>,
        %get3A_522 = arith.index_cast %add3A_513 : i32 to index
        %get3A_523 = arith.constant 16 : index
        %get3A_524 = tpu.vector_load %arg7[%get3A_522, %get3A_523] {strides = array<i32>} : memref<128x128xf32, #tpu.memory_space<vmem>>, vector<16xf32>,
        %get3A_525 = arith.index_cast %add3A_513 : i32 to index
        %get3A_526 = arith.constant 32 : index
        %get3A_527 = tpu.vector_load %arg7[%get3A_525, %get3A_526] {strides = array<i32>} : memref<128x128xf32, #tpu.memory_space<vmem>>, vector<16xf32>,
        %get3A_528 = arith.index_cast %add3A_513 : i32 to index
        %get3A_529 = arith.constant 48 : index
        %get3A_530 = tpu.vector_load %arg7[%get3A_528, %get3A_529] {strides = array<i32>} : memref<128x128xf32, #tpu.memory_space<vmem>>, vector<16xf32>,
        %add3A_531 = arith.constant 1 : i32
        %add3A_532 = arith.addi %add3A_513, %add3A_531 : i32
        %get3A_533 = arith.index_cast %add3A_532 : i32 to index
        %get3A_534 = arith.constant 0 : index
        %get3A_535 = tpu.vector_load %arg7[%get3A_533, %get3A_534] {strides = array<i32>} : memref<128x128xf32, #tpu.memory_space<vmem>>, vector<16xf32>,
        %add3A_536 = arith.constant 1 : i32
        %add3A_537 = arith.addi %add3A_513, %add3A_536 : i32
        %get3A_538 = arith.index_cast %add3A_537 : i32 to index
        %get3A_539 = arith.constant 16 : index
        %get3A_540 = tpu.vector_load %arg7[%get3A_538, %get3A_539] {strides = array<i32>} : memref<128x128xf32, #tpu.memory_space<vmem>>, vector<16xf32>,
        %add3A_541 = arith.constant 1 : i32
        %add3A_542 = arith.addi %add3A_513, %add3A_541 : i32
        %get3A_543 = arith.index_cast %add3A_542 : i32 to index
        %get3A_544 = arith.constant 32 : index
        %get3A_545 = tpu.vector_load %arg7[%get3A_543, %get3A_544] {strides = array<i32>} : memref<128x128xf32, #tpu.memory_space<vmem>>, vector<16xf32>,
        %add3A_546 = arith.constant 1 : i32
        %add3A_547 = arith.addi %add3A_513, %add3A_546 : i32
        %get3A_548 = arith.index_cast %add3A_547 : i32 to index
        %get3A_549 = arith.constant 48 : index
        %get3A_550 = tpu.vector_load %arg7[%get3A_548, %get3A_549] {strides = array<i32>} : memref<128x128xf32, #tpu.memory_space<vmem>>, vector<16xf32>,
        %mul3A_551 = arith.constant 8.000000e+00 : f32
        %mul3A_552 = vector.broadcast %mul3A_551 : f32 to vector<16xf32>
        %mul3A_553 = arith.mulf %get3A_521, %mul3A_552 : vector<16xf32>
        %mul3A_554 = arith.constant 8.000000e+00 : f32
        %mul3A_555 = vector.broadcast %mul3A_554 : f32 to vector<16xf32>
        %mul3A_556 = arith.mulf %get3A_524, %mul3A_555 : vector<16xf32>
        %mul3A_557 = arith.constant 8.000000e+00 : f32
        %mul3A_558 = vector.broadcast %mul3A_557 : f32 to vector<16xf32>
        %mul3A_559 = arith.mulf %get3A_527, %mul3A_558 : vector<16xf32>
        %mul3A_560 = arith.constant 8.000000e+00 : f32
        %mul3A_561 = vector.broadcast %mul3A_560 : f32 to vector<16xf32>
        %mul3A_562 = arith.mulf %get3A_530, %mul3A_561 : vector<16xf32>
        %mul3A_563 = arith.constant 8.000000e+00 : f32
        %mul3A_564 = vector.broadcast %mul3A_563 : f32 to vector<16xf32>
        %mul3A_565 = arith.mulf %get3A_535, %mul3A_564 : vector<16xf32>
        %mul3A_566 = arith.constant 8.000000e+00 : f32
        %mul3A_567 = vector.broadcast %mul3A_566 : f32 to vector<16xf32>
        %mul3A_568 = arith.mulf %get3A_540, %mul3A_567 : vector<16xf32>
        %mul3A_569 = arith.constant 8.000000e+00 : f32
        %mul3A_570 = vector.broadcast %mul3A_569 : f32 to vector<16xf32>
        %mul3A_571 = arith.mulf %get3A_545, %mul3A_570 : vector<16xf32>
        %mul3A_572 = arith.constant 8.000000e+00 : f32
        %mul3A_573 = vector.broadcast %mul3A_572 : f32 to vector<16xf32>
        %mul3A_574 = arith.mulf %get3A_550, %mul3A_573 : vector<16xf32>
        tpu.vector_store_idx %arg11[%select_n3A, %select_n3A_180, %add3A_516], %mul3A_553 : memref<8x8x129xf32, #tpu.memory_space<vmem>>[vector<16xi32>, vector<16xi32>, vector<16xi32>], vector<16xf32>,
        tpu.vector_store_idx %arg11[%select_n3A_89, %select_n3A_205, %add3A_516], %mul3A_556 : memref<8x8x129xf32, #tpu.memory_space<vmem>>[vector<16xi32>, vector<16xi32>, vector<16xi32>], vector<16xf32>,
        tpu.vector_store_idx %arg11[%select_n3A_123, %select_n3A_230, %add3A_516], %mul3A_559 : memref<8x8x129xf32, #tpu.memory_space<vmem>>[vector<16xi32>, vector<16xi32>, vector<16xi32>], vector<16xf32>,
        tpu.vector_store_idx %arg11[%select_n3A_157, %select_n3A_255, %add3A_516], %mul3A_562 : memref<8x8x129xf32, #tpu.memory_space<vmem>>[vector<16xi32>, vector<16xi32>, vector<16xi32>], vector<16xf32>,
        tpu.vector_store_idx %arg11[%select_n3A, %select_n3A_180, %add3A_519], %mul3A_565 : memref<8x8x129xf32, #tpu.memory_space<vmem>>[vector<16xi32>, vector<16xi32>, vector<16xi32>], vector<16xf32>,
        tpu.vector_store_idx %arg11[%select_n3A_89, %select_n3A_205, %add3A_519], %mul3A_568 : memref<8x8x129xf32, #tpu.memory_space<vmem>>[vector<16xi32>, vector<16xi32>, vector<16xi32>], vector<16xf32>,
        tpu.vector_store_idx %arg11[%select_n3A_123, %select_n3A_230, %add3A_519], %mul3A_571 : memref<8x8x129xf32, #tpu.memory_space<vmem>>[vector<16xi32>, vector<16xi32>, vector<16xi32>], vector<16xf32>,
        tpu.vector_store_idx %arg11[%select_n3A_157, %select_n3A_255, %add3A_519], %mul3A_574 : memref<8x8x129xf32, #tpu.memory_space<vmem>>[vector<16xi32>, vector<16xi32>, vector<16xi32>], vector<16xf32>,
        %scan3A_575 = arith.constant 1 : i32
        %scan3A_576 = arith.addi %scan3A_509, %scan3A_575 : i32
        %mul3A_577 = arith.constant 2 : i32
        %mul3A_578 = arith.muli %scan3A_576, %mul3A_577 : i32
        %add3A_579 = arith.constant 0 : i32
        %add3A_580 = arith.addi %add3A_579, %mul3A_578 : i32
        %broadcast_in_dim3A_581 = arith.constant 0 : i32
        %broadcast_in_dim3A_582 = vector.broadcast %broadcast_in_dim3A_581 : i32 to vector<16xi32>
        %add3A_583 = vector.broadcast %add3A_580 : i32 to vector<16xi32>
        %add3A_584 = arith.addi %broadcast_in_dim3A_582, %add3A_583 : vector<16xi32>
        %add3A_585 = arith.constant 1 : i32
        %add3A_586 = vector.broadcast %add3A_585 : i32 to vector<16xi32>
        %add3A_587 = arith.addi %add3A_584, %add3A_586 : vector<16xi32>
        %get3A_588 = arith.index_cast %add3A_580 : i32 to index
        %get3A_589 = arith.constant 0 : index
        %get3A_590 = tpu.vector_load %arg7[%get3A_588, %get3A_589] {strides = array<i32>} : memref<128x128xf32, #tpu.memory_space<vmem>>, vector<16xf32>,
        %get3A_591 = arith.index_cast %add3A_580 : i32 to index
        %get3A_592 = arith.constant 16 : index
        %get3A_593 = tpu.vector_load %arg7[%get3A_591, %get3A_592] {strides = array<i32>} : memref<128x128xf32, #tpu.memory_space<vmem>>, vector<16xf32>,
        %get3A_594 = arith.index_cast %add3A_580 : i32 to index
        %get3A_595 = arith.constant 32 : index
        %get3A_596 = tpu.vector_load %arg7[%get3A_594, %get3A_595] {strides = array<i32>} : memref<128x128xf32, #tpu.memory_space<vmem>>, vector<16xf32>,
        %get3A_597 = arith.index_cast %add3A_580 : i32 to index
        %get3A_598 = arith.constant 48 : index
        %get3A_599 = tpu.vector_load %arg7[%get3A_597, %get3A_598] {strides = array<i32>} : memref<128x128xf32, #tpu.memory_space<vmem>>, vector<16xf32>,
        %add3A_600 = arith.constant 1 : i32
        %add3A_601 = arith.addi %add3A_580, %add3A_600 : i32
        %get3A_602 = arith.index_cast %add3A_601 : i32 to index
        %get3A_603 = arith.constant 0 : index
        %get3A_604 = tpu.vector_load %arg7[%get3A_602, %get3A_603] {strides = array<i32>} : memref<128x128xf32, #tpu.memory_space<vmem>>, vector<16xf32>,
        %add3A_605 = arith.constant 1 : i32
        %add3A_606 = arith.addi %add3A_580, %add3A_605 : i32
        %get3A_607 = arith.index_cast %add3A_606 : i32 to index
        %get3A_608 = arith.constant 16 : index
        %get3A_609 = tpu.vector_load %arg7[%get3A_607, %get3A_608] {strides = array<i32>} : memref<128x128xf32, #tpu.memory_space<vmem>>, vector<16xf32>,
        %add3A_610 = arith.constant 1 : i32
        %add3A_611 = arith.addi %add3A_580, %add3A_610 : i32
        %get3A_612 = arith.index_cast %add3A_611 : i32 to index
        %get3A_613 = arith.constant 32 : index
        %get3A_614 = tpu.vector_load %arg7[%get3A_612, %get3A_613] {strides = array<i32>} : memref<128x128xf32, #tpu.memory_space<vmem>>, vector<16xf32>,
        %add3A_615 = arith.constant 1 : i32
        %add3A_616 = arith.addi %add3A_580, %add3A_615 : i32
        %get3A_617 = arith.index_cast %add3A_616 : i32 to index
        %get3A_618 = arith.constant 48 : index
        %get3A_619 = tpu.vector_load %arg7[%get3A_617, %get3A_618] {strides = array<i32>} : memref<128x128xf32, #tpu.memory_space<vmem>>, vector<16xf32>,
        %mul3A_620 = arith.constant 8.000000e+00 : f32
        %mul3A_621 = vector.broadcast %mul3A_620 : f32 to vector<16xf32>
        %mul3A_622 = arith.mulf %get3A_590, %mul3A_621 : vector<16xf32>
        %mul3A_623 = arith.constant 8.000000e+00 : f32
        %mul3A_624 = vector.broadcast %mul3A_623 : f32 to vector<16xf32>
        %mul3A_625 = arith.mulf %get3A_593, %mul3A_624 : vector<16xf32>
        %mul3A_626 = arith.constant 8.000000e+00 : f32
        %mul3A_627 = vector.broadcast %mul3A_626 : f32 to vector<16xf32>
        %mul3A_628 = arith.mulf %get3A_596, %mul3A_627 : vector<16xf32>
        %mul3A_629 = arith.constant 8.000000e+00 : f32
        %mul3A_630 = vector.broadcast %mul3A_629 : f32 to vector<16xf32>
        %mul3A_631 = arith.mulf %get3A_599, %mul3A_630 : vector<16xf32>
        %mul3A_632 = arith.constant 8.000000e+00 : f32
        %mul3A_633 = vector.broadcast %mul3A_632 : f32 to vector<16xf32>
        %mul3A_634 = arith.mulf %get3A_604, %mul3A_633 : vector<16xf32>
        %mul3A_635 = arith.constant 8.000000e+00 : f32
        %mul3A_636 = vector.broadcast %mul3A_635 : f32 to vector<16xf32>
        %mul3A_637 = arith.mulf %get3A_609, %mul3A_636 : vector<16xf32>
        %mul3A_638 = arith.constant 8.000000e+00 : f32
        %mul3A_639 = vector.broadcast %mul3A_638 : f32 to vector<16xf32>
        %mul3A_640 = arith.mulf %get3A_614, %mul3A_639 : vector<16xf32>
        %mul3A_641 = arith.constant 8.000000e+00 : f32
        %mul3A_642 = vector.broadcast %mul3A_641 : f32 to vector<16xf32>
        %mul3A_643 = arith.mulf %get3A_619, %mul3A_642 : vector<16xf32>
        tpu.vector_store_idx %arg11[%select_n3A, %select_n3A_180, %add3A_584], %mul3A_622 : memref<8x8x129xf32, #tpu.memory_space<vmem>>[vector<16xi32>, vector<16xi32>, vector<16xi32>], vector<16xf32>,
        tpu.vector_store_idx %arg11[%select_n3A_89, %select_n3A_205, %add3A_584], %mul3A_625 : memref<8x8x129xf32, #tpu.memory_space<vmem>>[vector<16xi32>, vector<16xi32>, vector<16xi32>], vector<16xf32>,
        tpu.vector_store_idx %arg11[%select_n3A_123, %select_n3A_230, %add3A_584], %mul3A_628 : memref<8x8x129xf32, #tpu.memory_space<vmem>>[vector<16xi32>, vector<16xi32>, vector<16xi32>], vector<16xf32>,
        tpu.vector_store_idx %arg11[%select_n3A_157, %select_n3A_255, %add3A_584], %mul3A_631 : memref<8x8x129xf32, #tpu.memory_space<vmem>>[vector<16xi32>, vector<16xi32>, vector<16xi32>], vector<16xf32>,
        tpu.vector_store_idx %arg11[%select_n3A, %select_n3A_180, %add3A_587], %mul3A_634 : memref<8x8x129xf32, #tpu.memory_space<vmem>>[vector<16xi32>, vector<16xi32>, vector<16xi32>], vector<16xf32>,
        tpu.vector_store_idx %arg11[%select_n3A_89, %select_n3A_205, %add3A_587], %mul3A_637 : memref<8x8x129xf32, #tpu.memory_space<vmem>>[vector<16xi32>, vector<16xi32>, vector<16xi32>], vector<16xf32>,
        tpu.vector_store_idx %arg11[%select_n3A_123, %select_n3A_230, %add3A_587], %mul3A_640 : memref<8x8x129xf32, #tpu.memory_space<vmem>>[vector<16xi32>, vector<16xi32>, vector<16xi32>], vector<16xf32>,
        tpu.vector_store_idx %arg11[%select_n3A_157, %select_n3A_255, %add3A_587], %mul3A_643 : memref<8x8x129xf32, #tpu.memory_space<vmem>>[vector<16xi32>, vector<16xi32>, vector<16xi32>], vector<16xf32>,
      }
      %scan3A_397 = arith.constant 64 : i32
      %add3A_398 = arith.constant 4 : i32
      %add3A_399 = arith.addi %add3A_381, %add3A_398 : i32
      %lt3A_400 = arith.constant 200 : i32
      %lt3A_401 = arith.cmpi slt, %add3A_399, %lt3A_400 : i32
      %convert_element_type3A_402 = arith.extui %lt3A_401 : i1 to i32
      %cond3A_403 = arith.constant 0 : i32
      %cond3A_404 = arith.cmpi ne, %convert_element_type3A_402, %cond3A_403 : i32
      scf.if %cond3A_404 {
        %add3A_509 = arith.constant 4 : i32
        %add3A_510 = arith.addi %add3A_381, %add3A_509 : i32
        %dma_start3A_511 = arith.constant 0 : i32
        %dma_start3A_512 = tpu.memref_slice %arg5[%add3A_510, %dma_start3A_511] : memref<200x128xi32, #tpu.memory_space<vmem>> -> memref<1x128xi32, #tpu.memory_space<vmem>>
        %dma_start3A_513 = tpu.memref_squeeze %dma_start3A_512 : memref<1x128xi32, #tpu.memory_space<vmem>> -> memref<128xi32, #tpu.memory_space<vmem>>
        %dma_start3A_514 = arith.constant 0 : i32
        %dma_start3A_515 = arith.constant 0 : i32
        %dma_start3A_516 = tpu.memref_slice %arg3[%dma_start3A_514, %dma_start3A_515] : memref<1000000x128xf32, #tpu.memory_space<hbm>> -> memref<1000000x128xf32, #tpu.memory_space<hbm>>
        tpu.enqueue_indirect_dma source(%dma_start3A_516 : memref<1000000x128xf32, #tpu.memory_space<hbm>>) target(%arg7 : memref<128x128xf32, #tpu.memory_space<vmem>>) offsets(%dma_start3A_513 : memref<128xi32, #tpu.memory_space<vmem>>) semaphore(%arg15 : memref<!tpu.dma_semaphore, #tpu.memory_space<semaphore_mem>>)
      } else {
      }
      %dma_start3A_405 = arith.constant 0 : i32
      %dma_start3A_406 = arith.constant 0 : i32
      %dma_start3A_407 = arith.constant 0 : i32
      %dma_start3A_408 = tpu.memref_slice %arg11[%dma_start3A_405, %dma_start3A_406, %dma_start3A_407] : memref<8x8x129xf32, #tpu.memory_space<vmem>> -> memref<8x8x128xf32, #tpu.memory_space<vmem>>
      %dma_start3A_409 = arith.constant 0 : i32
      %dma_start3A_410 = arith.constant 0 : i32
      %dma_start3A_411 = arith.constant 0 : i32
      %dma_start3A_412 = tpu.memref_slice %arg4[%add3A_381, %dma_start3A_409, %add3A, %dma_start3A_410, %dma_start3A_411] : memref<200x8x32x8x128xf32, #tpu.memory_space<hbm>> -> memref<1x8x1x8x128xf32, #tpu.memory_space<hbm>>
      %dma_start3A_413 = tpu.memref_squeeze %dma_start3A_412 : memref<1x8x1x8x128xf32, #tpu.memory_space<hbm>> -> memref<8x8x128xf32, #tpu.memory_space<hbm>>
      %dma_start3A_414 = arith.constant 0 : i32
      %dma_start3A_415 = arith.constant 0 : i32
      %dma_start3A_416 = arith.constant 0 : i32
      %dma_start3A_417 = tpu.memref_slice %arg4[%add3A_381, %dma_start3A_414, %add3A, %dma_start3A_415, %dma_start3A_416] : memref<200x8x32x8x128xf32, #tpu.memory_space<hbm>> -> memref<1x8x1x8x128xf32, #tpu.memory_space<hbm>>
      %dma_start3A_418 = tpu.memref_squeeze %dma_start3A_417 : memref<1x8x1x8x128xf32, #tpu.memory_space<hbm>> -> memref<8x8x128xf32, #tpu.memory_space<hbm>>
      %dma_start3A_419 = arith.constant 0 : i32
      %dma_start3A_420 = arith.constant 0 : i32
      %dma_start3A_421 = arith.constant 0 : i32
      %dma_start3A_422 = tpu.memref_slice %arg11[%dma_start3A_419, %dma_start3A_420, %dma_start3A_421] : memref<8x8x129xf32, #tpu.memory_space<vmem>> -> memref<8x8x128xf32, #tpu.memory_space<vmem>>
      tpu.enqueue_dma source(%dma_start3A_422 : memref<8x8x128xf32, #tpu.memory_space<vmem>>) target(%dma_start3A_418 : memref<8x8x128xf32, #tpu.memory_space<hbm>>) target_semaphore(%arg19 : memref<!tpu.dma_semaphore, #tpu.memory_space<semaphore_mem>>)
      %add3A_423 = arith.constant 2 : i32
      %add3A_424 = arith.addi %add3A_339, %add3A_423 : i32
      %dma_wait3A_425 = arith.constant 0 : i32
      %dma_wait3A_426 = tpu.memref_slice %arg5[%add3A_424, %dma_wait3A_425] : memref<200x128xi32, #tpu.memory_space<vmem>> -> memref<1x128xi32, #tpu.memory_space<vmem>>
      %dma_wait3A_427 = tpu.memref_squeeze %dma_wait3A_426 : memref<1x128xi32, #tpu.memory_space<vmem>> -> memref<128xi32, #tpu.memory_space<vmem>>
      %dma_wait3A_428 = arith.constant 0 : i32
      %dma_wait3A_429 = arith.constant 0 : i32
      %dma_wait3A_430 = tpu.memref_slice %arg3[%dma_wait3A_428, %dma_wait3A_429] : memref<1000000x128xf32, #tpu.memory_space<hbm>> -> memref<1000000x128xf32, #tpu.memory_space<hbm>>
      tpu.wait_indirect_dma semaphore(%arg16 : memref<!tpu.dma_semaphore, #tpu.memory_space<semaphore_mem>>) src(%dma_wait3A_430 : memref<1000000x128xf32, #tpu.memory_space<hbm>>) dst(%arg8 : memref<128x128xf32, #tpu.memory_space<vmem>>)
      %ge3A_431 = arith.constant 4 : i32
      %ge3A_432 = arith.cmpi sge, %add3A_424, %ge3A_431 : i32
      %convert_element_type3A_433 = arith.extui %ge3A_432 : i1 to i32
      %cond3A_434 = arith.constant 0 : i32
      %cond3A_435 = arith.cmpi ne, %convert_element_type3A_433, %cond3A_434 : i32
      scf.if %cond3A_435 {
        %sub3A_509 = arith.constant 4 : i32
        %sub3A_510 = arith.subi %add3A_424, %sub3A_509 : i32
        %dma_wait3A_511 = arith.constant 0 : i32
        %dma_wait3A_512 = arith.constant 0 : i32
        %dma_wait3A_513 = arith.constant 0 : i32
        %dma_wait3A_514 = tpu.memref_slice %arg12[%dma_wait3A_511, %dma_wait3A_512, %dma_wait3A_513] : memref<8x8x129xf32, #tpu.memory_space<vmem>> -> memref<8x8x128xf32, #tpu.memory_space<vmem>>
        %dma_wait3A_515 = arith.constant 0 : i32
        %dma_wait3A_516 = arith.constant 0 : i32
        %dma_wait3A_517 = arith.constant 0 : i32
        %dma_wait3A_518 = tpu.memref_slice %arg4[%sub3A_510, %dma_wait3A_515, %add3A, %dma_wait3A_516, %dma_wait3A_517] : memref<200x8x32x8x128xf32, #tpu.memory_space<hbm>> -> memref<1x8x1x8x128xf32, #tpu.memory_space<hbm>>
        %dma_wait3A_519 = tpu.memref_squeeze %dma_wait3A_518 : memref<1x8x1x8x128xf32, #tpu.memory_space<hbm>> -> memref<8x8x128xf32, #tpu.memory_space<hbm>>
        %dma_wait3A_520 = arith.constant 0 : i32
        %dma_wait3A_521 = arith.constant 0 : i32
        %dma_wait3A_522 = arith.constant 0 : i32
        %dma_wait3A_523 = tpu.memref_slice %arg4[%sub3A_510, %dma_wait3A_520, %add3A, %dma_wait3A_521, %dma_wait3A_522] : memref<200x8x32x8x128xf32, #tpu.memory_space<hbm>> -> memref<1x8x1x8x128xf32, #tpu.memory_space<hbm>>
        %dma_wait3A_524 = tpu.memref_squeeze %dma_wait3A_523 : memref<1x8x1x8x128xf32, #tpu.memory_space<hbm>> -> memref<8x8x128xf32, #tpu.memory_space<hbm>>
        %dma_wait3A_525 = arith.constant 0 : i32
        %dma_wait3A_526 = arith.constant 0 : i32
        %dma_wait3A_527 = arith.constant 0 : i32
        %dma_wait3A_528 = tpu.memref_slice %arg12[%dma_wait3A_525, %dma_wait3A_526, %dma_wait3A_527] : memref<8x8x129xf32, #tpu.memory_space<vmem>> -> memref<8x8x128xf32, #tpu.memory_space<vmem>>
        tpu.wait_dma2 semaphore(%arg20 : memref<!tpu.dma_semaphore, #tpu.memory_space<semaphore_mem>>) src(%dma_wait3A_528 : memref<8x8x128xf32, #tpu.memory_space<vmem>>) dst(%dma_wait3A_524 : memref<8x8x128xf32, #tpu.memory_space<hbm>>)
      } else {
      }
      %scan3A_436 = arith.constant 0 : i32
      %scan3A_437 = arith.constant 64 : i32
      %scan3A_438 = arith.addi %scan3A_436, %scan3A_437 : i32
      %scan3A_439 = arith.constant 2 : i32
      scf.for %scan3A_509 = %scan3A_436 to %scan3A_438 step %scan3A_439  : i32 {
        %mul3A_510 = arith.constant 2 : i32
        %mul3A_511 = arith.muli %scan3A_509, %mul3A_510 : i32
        %add3A_512 = arith.constant 0 : i32
        %add3A_513 = arith.addi %add3A_512, %mul3A_511 : i32
        %broadcast_in_dim3A = arith.constant 0 : i32
        %broadcast_in_dim3A_514 = vector.broadcast %broadcast_in_dim3A : i32 to vector<16xi32>
        %add3A_515 = vector.broadcast %add3A_513 : i32 to vector<16xi32>
        %add3A_516 = arith.addi %broadcast_in_dim3A_514, %add3A_515 : vector<16xi32>
        %add3A_517 = arith.constant 1 : i32
        %add3A_518 = vector.broadcast %add3A_517 : i32 to vector<16xi32>
        %add3A_519 = arith.addi %add3A_516, %add3A_518 : vector<16xi32>
        %get3A = arith.index_cast %add3A_513 : i32 to index
        %get3A_520 = arith.constant 0 : index
        %get3A_521 = tpu.vector_load %arg8[%get3A, %get3A_520] {strides = array<i32>} : memref<128x128xf32, #tpu.memory_space<vmem>>, vector<16xf32>,
        %get3A_522 = arith.index_cast %add3A_513 : i32 to index
        %get3A_523 = arith.constant 16 : index
        %get3A_524 = tpu.vector_load %arg8[%get3A_522, %get3A_523] {strides = array<i32>} : memref<128x128xf32, #tpu.memory_space<vmem>>, vector<16xf32>,
        %get3A_525 = arith.index_cast %add3A_513 : i32 to index
        %get3A_526 = arith.constant 32 : index
        %get3A_527 = tpu.vector_load %arg8[%get3A_525, %get3A_526] {strides = array<i32>} : memref<128x128xf32, #tpu.memory_space<vmem>>, vector<16xf32>,
        %get3A_528 = arith.index_cast %add3A_513 : i32 to index
        %get3A_529 = arith.constant 48 : index
        %get3A_530 = tpu.vector_load %arg8[%get3A_528, %get3A_529] {strides = array<i32>} : memref<128x128xf32, #tpu.memory_space<vmem>>, vector<16xf32>,
        %add3A_531 = arith.constant 1 : i32
        %add3A_532 = arith.addi %add3A_513, %add3A_531 : i32
        %get3A_533 = arith.index_cast %add3A_532 : i32 to index
        %get3A_534 = arith.constant 0 : index
        %get3A_535 = tpu.vector_load %arg8[%get3A_533, %get3A_534] {strides = array<i32>} : memref<128x128xf32, #tpu.memory_space<vmem>>, vector<16xf32>,
        %add3A_536 = arith.constant 1 : i32
        %add3A_537 = arith.addi %add3A_513, %add3A_536 : i32
        %get3A_538 = arith.index_cast %add3A_537 : i32 to index
        %get3A_539 = arith.constant 16 : index
        %get3A_540 = tpu.vector_load %arg8[%get3A_538, %get3A_539] {strides = array<i32>} : memref<128x128xf32, #tpu.memory_space<vmem>>, vector<16xf32>,
        %add3A_541 = arith.constant 1 : i32
        %add3A_542 = arith.addi %add3A_513, %add3A_541 : i32
        %get3A_543 = arith.index_cast %add3A_542 : i32 to index
        %get3A_544 = arith.constant 32 : index
        %get3A_545 = tpu.vector_load %arg8[%get3A_543, %get3A_544] {strides = array<i32>} : memref<128x128xf32, #tpu.memory_space<vmem>>, vector<16xf32>,
        %add3A_546 = arith.constant 1 : i32
        %add3A_547 = arith.addi %add3A_513, %add3A_546 : i32
        %get3A_548 = arith.index_cast %add3A_547 : i32 to index
        %get3A_549 = arith.constant 48 : index
        %get3A_550 = tpu.vector_load %arg8[%get3A_548, %get3A_549] {strides = array<i32>} : memref<128x128xf32, #tpu.memory_space<vmem>>, vector<16xf32>,
        %mul3A_551 = arith.constant 8.000000e+00 : f32
        %mul3A_552 = vector.broadcast %mul3A_551 : f32 to vector<16xf32>
        %mul3A_553 = arith.mulf %get3A_521, %mul3A_552 : vector<16xf32>
        %mul3A_554 = arith.constant 8.000000e+00 : f32
        %mul3A_555 = vector.broadcast %mul3A_554 : f32 to vector<16xf32>
        %mul3A_556 = arith.mulf %get3A_524, %mul3A_555 : vector<16xf32>
        %mul3A_557 = arith.constant 8.000000e+00 : f32
        %mul3A_558 = vector.broadcast %mul3A_557 : f32 to vector<16xf32>
        %mul3A_559 = arith.mulf %get3A_527, %mul3A_558 : vector<16xf32>
        %mul3A_560 = arith.constant 8.000000e+00 : f32
        %mul3A_561 = vector.broadcast %mul3A_560 : f32 to vector<16xf32>
        %mul3A_562 = arith.mulf %get3A_530, %mul3A_561 : vector<16xf32>
        %mul3A_563 = arith.constant 8.000000e+00 : f32
        %mul3A_564 = vector.broadcast %mul3A_563 : f32 to vector<16xf32>
        %mul3A_565 = arith.mulf %get3A_535, %mul3A_564 : vector<16xf32>
        %mul3A_566 = arith.constant 8.000000e+00 : f32
        %mul3A_567 = vector.broadcast %mul3A_566 : f32 to vector<16xf32>
        %mul3A_568 = arith.mulf %get3A_540, %mul3A_567 : vector<16xf32>
        %mul3A_569 = arith.constant 8.000000e+00 : f32
        %mul3A_570 = vector.broadcast %mul3A_569 : f32 to vector<16xf32>
        %mul3A_571 = arith.mulf %get3A_545, %mul3A_570 : vector<16xf32>
        %mul3A_572 = arith.constant 8.000000e+00 : f32
        %mul3A_573 = vector.broadcast %mul3A_572 : f32 to vector<16xf32>
        %mul3A_574 = arith.mulf %get3A_550, %mul3A_573 : vector<16xf32>
        tpu.vector_store_idx %arg12[%select_n3A, %select_n3A_180, %add3A_516], %mul3A_553 : memref<8x8x129xf32, #tpu.memory_space<vmem>>[vector<16xi32>, vector<16xi32>, vector<16xi32>], vector<16xf32>,
        tpu.vector_store_idx %arg12[%select_n3A_89, %select_n3A_205, %add3A_516], %mul3A_556 : memref<8x8x129xf32, #tpu.memory_space<vmem>>[vector<16xi32>, vector<16xi32>, vector<16xi32>], vector<16xf32>,
        tpu.vector_store_idx %arg12[%select_n3A_123, %select_n3A_230, %add3A_516], %mul3A_559 : memref<8x8x129xf32, #tpu.memory_space<vmem>>[vector<16xi32>, vector<16xi32>, vector<16xi32>], vector<16xf32>,
        tpu.vector_store_idx %arg12[%select_n3A_157, %select_n3A_255, %add3A_516], %mul3A_562 : memref<8x8x129xf32, #tpu.memory_space<vmem>>[vector<16xi32>, vector<16xi32>, vector<16xi32>], vector<16xf32>,
        tpu.vector_store_idx %arg12[%select_n3A, %select_n3A_180, %add3A_519], %mul3A_565 : memref<8x8x129xf32, #tpu.memory_space<vmem>>[vector<16xi32>, vector<16xi32>, vector<16xi32>], vector<16xf32>,
        tpu.vector_store_idx %arg12[%select_n3A_89, %select_n3A_205, %add3A_519], %mul3A_568 : memref<8x8x129xf32, #tpu.memory_space<vmem>>[vector<16xi32>, vector<16xi32>, vector<16xi32>], vector<16xf32>,
        tpu.vector_store_idx %arg12[%select_n3A_123, %select_n3A_230, %add3A_519], %mul3A_571 : memref<8x8x129xf32, #tpu.memory_space<vmem>>[vector<16xi32>, vector<16xi32>, vector<16xi32>], vector<16xf32>,
        tpu.vector_store_idx %arg12[%select_n3A_157, %select_n3A_255, %add3A_519], %mul3A_574 : memref<8x8x129xf32, #tpu.memory_space<vmem>>[vector<16xi32>, vector<16xi32>, vector<16xi32>], vector<16xf32>,
        %scan3A_575 = arith.constant 1 : i32
        %scan3A_576 = arith.addi %scan3A_509, %scan3A_575 : i32
        %mul3A_577 = arith.constant 2 : i32
        %mul3A_578 = arith.muli %scan3A_576, %mul3A_577 : i32
        %add3A_579 = arith.constant 0 : i32
        %add3A_580 = arith.addi %add3A_579, %mul3A_578 : i32
        %broadcast_in_dim3A_581 = arith.constant 0 : i32
        %broadcast_in_dim3A_582 = vector.broadcast %broadcast_in_dim3A_581 : i32 to vector<16xi32>
        %add3A_583 = vector.broadcast %add3A_580 : i32 to vector<16xi32>
        %add3A_584 = arith.addi %broadcast_in_dim3A_582, %add3A_583 : vector<16xi32>
        %add3A_585 = arith.constant 1 : i32
        %add3A_586 = vector.broadcast %add3A_585 : i32 to vector<16xi32>
        %add3A_587 = arith.addi %add3A_584, %add3A_586 : vector<16xi32>
        %get3A_588 = arith.index_cast %add3A_580 : i32 to index
        %get3A_589 = arith.constant 0 : index
        %get3A_590 = tpu.vector_load %arg8[%get3A_588, %get3A_589] {strides = array<i32>} : memref<128x128xf32, #tpu.memory_space<vmem>>, vector<16xf32>,
        %get3A_591 = arith.index_cast %add3A_580 : i32 to index
        %get3A_592 = arith.constant 16 : index
        %get3A_593 = tpu.vector_load %arg8[%get3A_591, %get3A_592] {strides = array<i32>} : memref<128x128xf32, #tpu.memory_space<vmem>>, vector<16xf32>,
        %get3A_594 = arith.index_cast %add3A_580 : i32 to index
        %get3A_595 = arith.constant 32 : index
        %get3A_596 = tpu.vector_load %arg8[%get3A_594, %get3A_595] {strides = array<i32>} : memref<128x128xf32, #tpu.memory_space<vmem>>, vector<16xf32>,
        %get3A_597 = arith.index_cast %add3A_580 : i32 to index
        %get3A_598 = arith.constant 48 : index
        %get3A_599 = tpu.vector_load %arg8[%get3A_597, %get3A_598] {strides = array<i32>} : memref<128x128xf32, #tpu.memory_space<vmem>>, vector<16xf32>,
        %add3A_600 = arith.constant 1 : i32
        %add3A_601 = arith.addi %add3A_580, %add3A_600 : i32
        %get3A_602 = arith.index_cast %add3A_601 : i32 to index
        %get3A_603 = arith.constant 0 : index
        %get3A_604 = tpu.vector_load %arg8[%get3A_602, %get3A_603] {strides = array<i32>} : memref<128x128xf32, #tpu.memory_space<vmem>>, vector<16xf32>,
        %add3A_605 = arith.constant 1 : i32
        %add3A_606 = arith.addi %add3A_580, %add3A_605 : i32
        %get3A_607 = arith.index_cast %add3A_606 : i32 to index
        %get3A_608 = arith.constant 16 : index
        %get3A_609 = tpu.vector_load %arg8[%get3A_607, %get3A_608] {strides = array<i32>} : memref<128x128xf32, #tpu.memory_space<vmem>>, vector<16xf32>,
        %add3A_610 = arith.constant 1 : i32
        %add3A_611 = arith.addi %add3A_580, %add3A_610 : i32
        %get3A_612 = arith.index_cast %add3A_611 : i32 to index
        %get3A_613 = arith.constant 32 : index
        %get3A_614 = tpu.vector_load %arg8[%get3A_612, %get3A_613] {strides = array<i32>} : memref<128x128xf32, #tpu.memory_space<vmem>>, vector<16xf32>,
        %add3A_615 = arith.constant 1 : i32
        %add3A_616 = arith.addi %add3A_580, %add3A_615 : i32
        %get3A_617 = arith.index_cast %add3A_616 : i32 to index
        %get3A_618 = arith.constant 48 : index
        %get3A_619 = tpu.vector_load %arg8[%get3A_617, %get3A_618] {strides = array<i32>} : memref<128x128xf32, #tpu.memory_space<vmem>>, vector<16xf32>,
        %mul3A_620 = arith.constant 8.000000e+00 : f32
        %mul3A_621 = vector.broadcast %mul3A_620 : f32 to vector<16xf32>
        %mul3A_622 = arith.mulf %get3A_590, %mul3A_621 : vector<16xf32>
        %mul3A_623 = arith.constant 8.000000e+00 : f32
        %mul3A_624 = vector.broadcast %mul3A_623 : f32 to vector<16xf32>
        %mul3A_625 = arith.mulf %get3A_593, %mul3A_624 : vector<16xf32>
        %mul3A_626 = arith.constant 8.000000e+00 : f32
        %mul3A_627 = vector.broadcast %mul3A_626 : f32 to vector<16xf32>
        %mul3A_628 = arith.mulf %get3A_596, %mul3A_627 : vector<16xf32>
        %mul3A_629 = arith.constant 8.000000e+00 : f32
        %mul3A_630 = vector.broadcast %mul3A_629 : f32 to vector<16xf32>
        %mul3A_631 = arith.mulf %get3A_599, %mul3A_630 : vector<16xf32>
        %mul3A_632 = arith.constant 8.000000e+00 : f32
        %mul3A_633 = vector.broadcast %mul3A_632 : f32 to vector<16xf32>
        %mul3A_634 = arith.mulf %get3A_604, %mul3A_633 : vector<16xf32>
        %mul3A_635 = arith.constant 8.000000e+00 : f32
        %mul3A_636 = vector.broadcast %mul3A_635 : f32 to vector<16xf32>
        %mul3A_637 = arith.mulf %get3A_609, %mul3A_636 : vector<16xf32>
        %mul3A_638 = arith.constant 8.000000e+00 : f32
        %mul3A_639 = vector.broadcast %mul3A_638 : f32 to vector<16xf32>
        %mul3A_640 = arith.mulf %get3A_614, %mul3A_639 : vector<16xf32>
        %mul3A_641 = arith.constant 8.000000e+00 : f32
        %mul3A_642 = vector.broadcast %mul3A_641 : f32 to vector<16xf32>
        %mul3A_643 = arith.mulf %get3A_619, %mul3A_642 : vector<16xf32>
        tpu.vector_store_idx %arg12[%select_n3A, %select_n3A_180, %add3A_584], %mul3A_622 : memref<8x8x129xf32, #tpu.memory_space<vmem>>[vector<16xi32>, vector<16xi32>, vector<16xi32>], vector<16xf32>,
        tpu.vector_store_idx %arg12[%select_n3A_89, %select_n3A_205, %add3A_584], %mul3A_625 : memref<8x8x129xf32, #tpu.memory_space<vmem>>[vector<16xi32>, vector<16xi32>, vector<16xi32>], vector<16xf32>,
        tpu.vector_store_idx %arg12[%select_n3A_123, %select_n3A_230, %add3A_584], %mul3A_628 : memref<8x8x129xf32, #tpu.memory_space<vmem>>[vector<16xi32>, vector<16xi32>, vector<16xi32>], vector<16xf32>,
        tpu.vector_store_idx %arg12[%select_n3A_157, %select_n3A_255, %add3A_584], %mul3A_631 : memref<8x8x129xf32, #tpu.memory_space<vmem>>[vector<16xi32>, vector<16xi32>, vector<16xi32>], vector<16xf32>,
        tpu.vector_store_idx %arg12[%select_n3A, %select_n3A_180, %add3A_587], %mul3A_634 : memref<8x8x129xf32, #tpu.memory_space<vmem>>[vector<16xi32>, vector<16xi32>, vector<16xi32>], vector<16xf32>,
        tpu.vector_store_idx %arg12[%select_n3A_89, %select_n3A_205, %add3A_587], %mul3A_637 : memref<8x8x129xf32, #tpu.memory_space<vmem>>[vector<16xi32>, vector<16xi32>, vector<16xi32>], vector<16xf32>,
        tpu.vector_store_idx %arg12[%select_n3A_123, %select_n3A_230, %add3A_587], %mul3A_640 : memref<8x8x129xf32, #tpu.memory_space<vmem>>[vector<16xi32>, vector<16xi32>, vector<16xi32>], vector<16xf32>,
        tpu.vector_store_idx %arg12[%select_n3A_157, %select_n3A_255, %add3A_587], %mul3A_643 : memref<8x8x129xf32, #tpu.memory_space<vmem>>[vector<16xi32>, vector<16xi32>, vector<16xi32>], vector<16xf32>,
      }
      %scan3A_440 = arith.constant 64 : i32
      %add3A_441 = arith.constant 4 : i32
      %add3A_442 = arith.addi %add3A_424, %add3A_441 : i32
      %lt3A_443 = arith.constant 200 : i32
      %lt3A_444 = arith.cmpi slt, %add3A_442, %lt3A_443 : i32
      %convert_element_type3A_445 = arith.extui %lt3A_444 : i1 to i32
      %cond3A_446 = arith.constant 0 : i32
      %cond3A_447 = arith.cmpi ne, %convert_element_type3A_445, %cond3A_446 : i32
      scf.if %cond3A_447 {
        %add3A_509 = arith.constant 4 : i32
        %add3A_510 = arith.addi %add3A_424, %add3A_509 : i32
        %dma_start3A_511 = arith.constant 0 : i32
        %dma_start3A_512 = tpu.memref_slice %arg5[%add3A_510, %dma_start3A_511] : memref<200x128xi32, #tpu.memory_space<vmem>> -> memref<1x128xi32, #tpu.memory_space<vmem>>
        %dma_start3A_513 = tpu.memref_squeeze %dma_start3A_512 : memref<1x128xi32, #tpu.memory_space<vmem>> -> memref<128xi32, #tpu.memory_space<vmem>>
        %dma_start3A_514 = arith.constant 0 : i32
        %dma_start3A_515 = arith.constant 0 : i32
        %dma_start3A_516 = tpu.memref_slice %arg3[%dma_start3A_514, %dma_start3A_515] : memref<1000000x128xf32, #tpu.memory_space<hbm>> -> memref<1000000x128xf32, #tpu.memory_space<hbm>>
        tpu.enqueue_indirect_dma source(%dma_start3A_516 : memref<1000000x128xf32, #tpu.memory_space<hbm>>) target(%arg8 : memref<128x128xf32, #tpu.memory_space<vmem>>) offsets(%dma_start3A_513 : memref<128xi32, #tpu.memory_space<vmem>>) semaphore(%arg16 : memref<!tpu.dma_semaphore, #tpu.memory_space<semaphore_mem>>)
      } else {
      }
      %dma_start3A_448 = arith.constant 0 : i32
      %dma_start3A_449 = arith.constant 0 : i32
      %dma_start3A_450 = arith.constant 0 : i32
      %dma_start3A_451 = tpu.memref_slice %arg12[%dma_start3A_448, %dma_start3A_449, %dma_start3A_450] : memref<8x8x129xf32, #tpu.memory_space<vmem>> -> memref<8x8x128xf32, #tpu.memory_space<vmem>>
      %dma_start3A_452 = arith.constant 0 : i32
      %dma_start3A_453 = arith.constant 0 : i32
      %dma_start3A_454 = arith.constant 0 : i32
      %dma_start3A_455 = tpu.memref_slice %arg4[%add3A_424, %dma_start3A_452, %add3A, %dma_start3A_453, %dma_start3A_454] : memref<200x8x32x8x128xf32, #tpu.memory_space<hbm>> -> memref<1x8x1x8x128xf32, #tpu.memory_space<hbm>>
      %dma_start3A_456 = tpu.memref_squeeze %dma_start3A_455 : memref<1x8x1x8x128xf32, #tpu.memory_space<hbm>> -> memref<8x8x128xf32, #tpu.memory_space<hbm>>
      %dma_start3A_457 = arith.constant 0 : i32
      %dma_start3A_458 = arith.constant 0 : i32
      %dma_start3A_459 = arith.constant 0 : i32
      %dma_start3A_460 = tpu.memref_slice %arg4[%add3A_424, %dma_start3A_457, %add3A, %dma_start3A_458, %dma_start3A_459] : memref<200x8x32x8x128xf32, #tpu.memory_space<hbm>> -> memref<1x8x1x8x128xf32, #tpu.memory_space<hbm>>
      %dma_start3A_461 = tpu.memref_squeeze %dma_start3A_460 : memref<1x8x1x8x128xf32, #tpu.memory_space<hbm>> -> memref<8x8x128xf32, #tpu.memory_space<hbm>>
      %dma_start3A_462 = arith.constant 0 : i32
      %dma_start3A_463 = arith.constant 0 : i32
      %dma_start3A_464 = arith.constant 0 : i32
      %dma_start3A_465 = tpu.memref_slice %arg12[%dma_start3A_462, %dma_start3A_463, %dma_start3A_464] : memref<8x8x129xf32, #tpu.memory_space<vmem>> -> memref<8x8x128xf32, #tpu.memory_space<vmem>>
      tpu.enqueue_dma source(%dma_start3A_465 : memref<8x8x128xf32, #tpu.memory_space<vmem>>) target(%dma_start3A_461 : memref<8x8x128xf32, #tpu.memory_space<hbm>>) target_semaphore(%arg20 : memref<!tpu.dma_semaphore, #tpu.memory_space<semaphore_mem>>)
      %add3A_466 = arith.constant 3 : i32
      %add3A_467 = arith.addi %add3A_339, %add3A_466 : i32
      %dma_wait3A_468 = arith.constant 0 : i32
      %dma_wait3A_469 = tpu.memref_slice %arg5[%add3A_467, %dma_wait3A_468] : memref<200x128xi32, #tpu.memory_space<vmem>> -> memref<1x128xi32, #tpu.memory_space<vmem>>
      %dma_wait3A_470 = tpu.memref_squeeze %dma_wait3A_469 : memref<1x128xi32, #tpu.memory_space<vmem>> -> memref<128xi32, #tpu.memory_space<vmem>>
      %dma_wait3A_471 = arith.constant 0 : i32
      %dma_wait3A_472 = arith.constant 0 : i32
      %dma_wait3A_473 = tpu.memref_slice %arg3[%dma_wait3A_471, %dma_wait3A_472] : memref<1000000x128xf32, #tpu.memory_space<hbm>> -> memref<1000000x128xf32, #tpu.memory_space<hbm>>
      tpu.wait_indirect_dma semaphore(%arg17 : memref<!tpu.dma_semaphore, #tpu.memory_space<semaphore_mem>>) src(%dma_wait3A_473 : memref<1000000x128xf32, #tpu.memory_space<hbm>>) dst(%arg9 : memref<128x128xf32, #tpu.memory_space<vmem>>)
      %ge3A_474 = arith.constant 4 : i32
      %ge3A_475 = arith.cmpi sge, %add3A_467, %ge3A_474 : i32
      %convert_element_type3A_476 = arith.extui %ge3A_475 : i1 to i32
      %cond3A_477 = arith.constant 0 : i32
      %cond3A_478 = arith.cmpi ne, %convert_element_type3A_476, %cond3A_477 : i32
      scf.if %cond3A_478 {
        %sub3A_509 = arith.constant 4 : i32
        %sub3A_510 = arith.subi %add3A_467, %sub3A_509 : i32
        %dma_wait3A_511 = arith.constant 0 : i32
        %dma_wait3A_512 = arith.constant 0 : i32
        %dma_wait3A_513 = arith.constant 0 : i32
        %dma_wait3A_514 = tpu.memref_slice %arg13[%dma_wait3A_511, %dma_wait3A_512, %dma_wait3A_513] : memref<8x8x129xf32, #tpu.memory_space<vmem>> -> memref<8x8x128xf32, #tpu.memory_space<vmem>>
        %dma_wait3A_515 = arith.constant 0 : i32
        %dma_wait3A_516 = arith.constant 0 : i32
        %dma_wait3A_517 = arith.constant 0 : i32
        %dma_wait3A_518 = tpu.memref_slice %arg4[%sub3A_510, %dma_wait3A_515, %add3A, %dma_wait3A_516, %dma_wait3A_517] : memref<200x8x32x8x128xf32, #tpu.memory_space<hbm>> -> memref<1x8x1x8x128xf32, #tpu.memory_space<hbm>>
        %dma_wait3A_519 = tpu.memref_squeeze %dma_wait3A_518 : memref<1x8x1x8x128xf32, #tpu.memory_space<hbm>> -> memref<8x8x128xf32, #tpu.memory_space<hbm>>
        %dma_wait3A_520 = arith.constant 0 : i32
        %dma_wait3A_521 = arith.constant 0 : i32
        %dma_wait3A_522 = arith.constant 0 : i32
        %dma_wait3A_523 = tpu.memref_slice %arg4[%sub3A_510, %dma_wait3A_520, %add3A, %dma_wait3A_521, %dma_wait3A_522] : memref<200x8x32x8x128xf32, #tpu.memory_space<hbm>> -> memref<1x8x1x8x128xf32, #tpu.memory_space<hbm>>
        %dma_wait3A_524 = tpu.memref_squeeze %dma_wait3A_523 : memref<1x8x1x8x128xf32, #tpu.memory_space<hbm>> -> memref<8x8x128xf32, #tpu.memory_space<hbm>>
        %dma_wait3A_525 = arith.constant 0 : i32
        %dma_wait3A_526 = arith.constant 0 : i32
        %dma_wait3A_527 = arith.constant 0 : i32
        %dma_wait3A_528 = tpu.memref_slice %arg13[%dma_wait3A_525, %dma_wait3A_526, %dma_wait3A_527] : memref<8x8x129xf32, #tpu.memory_space<vmem>> -> memref<8x8x128xf32, #tpu.memory_space<vmem>>
        tpu.wait_dma2 semaphore(%arg21 : memref<!tpu.dma_semaphore, #tpu.memory_space<semaphore_mem>>) src(%dma_wait3A_528 : memref<8x8x128xf32, #tpu.memory_space<vmem>>) dst(%dma_wait3A_524 : memref<8x8x128xf32, #tpu.memory_space<hbm>>)
      } else {
      }
      %scan3A_479 = arith.constant 0 : i32
      %scan3A_480 = arith.constant 64 : i32
      %scan3A_481 = arith.addi %scan3A_479, %scan3A_480 : i32
      %scan3A_482 = arith.constant 2 : i32
      scf.for %scan3A_509 = %scan3A_479 to %scan3A_481 step %scan3A_482  : i32 {
        %mul3A_510 = arith.constant 2 : i32
        %mul3A_511 = arith.muli %scan3A_509, %mul3A_510 : i32
        %add3A_512 = arith.constant 0 : i32
        %add3A_513 = arith.addi %add3A_512, %mul3A_511 : i32
        %broadcast_in_dim3A = arith.constant 0 : i32
        %broadcast_in_dim3A_514 = vector.broadcast %broadcast_in_dim3A : i32 to vector<16xi32>
        %add3A_515 = vector.broadcast %add3A_513 : i32 to vector<16xi32>
        %add3A_516 = arith.addi %broadcast_in_dim3A_514, %add3A_515 : vector<16xi32>
        %add3A_517 = arith.constant 1 : i32
        %add3A_518 = vector.broadcast %add3A_517 : i32 to vector<16xi32>
        %add3A_519 = arith.addi %add3A_516, %add3A_518 : vector<16xi32>
        %get3A = arith.index_cast %add3A_513 : i32 to index
        %get3A_520 = arith.constant 0 : index
        %get3A_521 = tpu.vector_load %arg9[%get3A, %get3A_520] {strides = array<i32>} : memref<128x128xf32, #tpu.memory_space<vmem>>, vector<16xf32>,
        %get3A_522 = arith.index_cast %add3A_513 : i32 to index
        %get3A_523 = arith.constant 16 : index
        %get3A_524 = tpu.vector_load %arg9[%get3A_522, %get3A_523] {strides = array<i32>} : memref<128x128xf32, #tpu.memory_space<vmem>>, vector<16xf32>,
        %get3A_525 = arith.index_cast %add3A_513 : i32 to index
        %get3A_526 = arith.constant 32 : index
        %get3A_527 = tpu.vector_load %arg9[%get3A_525, %get3A_526] {strides = array<i32>} : memref<128x128xf32, #tpu.memory_space<vmem>>, vector<16xf32>,
        %get3A_528 = arith.index_cast %add3A_513 : i32 to index
        %get3A_529 = arith.constant 48 : index
        %get3A_530 = tpu.vector_load %arg9[%get3A_528, %get3A_529] {strides = array<i32>} : memref<128x128xf32, #tpu.memory_space<vmem>>, vector<16xf32>,
        %add3A_531 = arith.constant 1 : i32
        %add3A_532 = arith.addi %add3A_513, %add3A_531 : i32
        %get3A_533 = arith.index_cast %add3A_532 : i32 to index
        %get3A_534 = arith.constant 0 : index
        %get3A_535 = tpu.vector_load %arg9[%get3A_533, %get3A_534] {strides = array<i32>} : memref<128x128xf32, #tpu.memory_space<vmem>>, vector<16xf32>,
        %add3A_536 = arith.constant 1 : i32
        %add3A_537 = arith.addi %add3A_513, %add3A_536 : i32
        %get3A_538 = arith.index_cast %add3A_537 : i32 to index
        %get3A_539 = arith.constant 16 : index
        %get3A_540 = tpu.vector_load %arg9[%get3A_538, %get3A_539] {strides = array<i32>} : memref<128x128xf32, #tpu.memory_space<vmem>>, vector<16xf32>,
        %add3A_541 = arith.constant 1 : i32
        %add3A_542 = arith.addi %add3A_513, %add3A_541 : i32
        %get3A_543 = arith.index_cast %add3A_542 : i32 to index
        %get3A_544 = arith.constant 32 : index
        %get3A_545 = tpu.vector_load %arg9[%get3A_543, %get3A_544] {strides = array<i32>} : memref<128x128xf32, #tpu.memory_space<vmem>>, vector<16xf32>,
        %add3A_546 = arith.constant 1 : i32
        %add3A_547 = arith.addi %add3A_513, %add3A_546 : i32
        %get3A_548 = arith.index_cast %add3A_547 : i32 to index
        %get3A_549 = arith.constant 48 : index
        %get3A_550 = tpu.vector_load %arg9[%get3A_548, %get3A_549] {strides = array<i32>} : memref<128x128xf32, #tpu.memory_space<vmem>>, vector<16xf32>,
        %mul3A_551 = arith.constant 8.000000e+00 : f32
        %mul3A_552 = vector.broadcast %mul3A_551 : f32 to vector<16xf32>
        %mul3A_553 = arith.mulf %get3A_521, %mul3A_552 : vector<16xf32>
        %mul3A_554 = arith.constant 8.000000e+00 : f32
        %mul3A_555 = vector.broadcast %mul3A_554 : f32 to vector<16xf32>
        %mul3A_556 = arith.mulf %get3A_524, %mul3A_555 : vector<16xf32>
        %mul3A_557 = arith.constant 8.000000e+00 : f32
        %mul3A_558 = vector.broadcast %mul3A_557 : f32 to vector<16xf32>
        %mul3A_559 = arith.mulf %get3A_527, %mul3A_558 : vector<16xf32>
        %mul3A_560 = arith.constant 8.000000e+00 : f32
        %mul3A_561 = vector.broadcast %mul3A_560 : f32 to vector<16xf32>
        %mul3A_562 = arith.mulf %get3A_530, %mul3A_561 : vector<16xf32>
        %mul3A_563 = arith.constant 8.000000e+00 : f32
        %mul3A_564 = vector.broadcast %mul3A_563 : f32 to vector<16xf32>
        %mul3A_565 = arith.mulf %get3A_535, %mul3A_564 : vector<16xf32>
        %mul3A_566 = arith.constant 8.000000e+00 : f32
        %mul3A_567 = vector.broadcast %mul3A_566 : f32 to vector<16xf32>
        %mul3A_568 = arith.mulf %get3A_540, %mul3A_567 : vector<16xf32>
        %mul3A_569 = arith.constant 8.000000e+00 : f32
        %mul3A_570 = vector.broadcast %mul3A_569 : f32 to vector<16xf32>
        %mul3A_571 = arith.mulf %get3A_545, %mul3A_570 : vector<16xf32>
        %mul3A_572 = arith.constant 8.000000e+00 : f32
        %mul3A_573 = vector.broadcast %mul3A_572 : f32 to vector<16xf32>
        %mul3A_574 = arith.mulf %get3A_550, %mul3A_573 : vector<16xf32>
        tpu.vector_store_idx %arg13[%select_n3A, %select_n3A_180, %add3A_516], %mul3A_553 : memref<8x8x129xf32, #tpu.memory_space<vmem>>[vector<16xi32>, vector<16xi32>, vector<16xi32>], vector<16xf32>,
        tpu.vector_store_idx %arg13[%select_n3A_89, %select_n3A_205, %add3A_516], %mul3A_556 : memref<8x8x129xf32, #tpu.memory_space<vmem>>[vector<16xi32>, vector<16xi32>, vector<16xi32>], vector<16xf32>,
        tpu.vector_store_idx %arg13[%select_n3A_123, %select_n3A_230, %add3A_516], %mul3A_559 : memref<8x8x129xf32, #tpu.memory_space<vmem>>[vector<16xi32>, vector<16xi32>, vector<16xi32>], vector<16xf32>,
        tpu.vector_store_idx %arg13[%select_n3A_157, %select_n3A_255, %add3A_516], %mul3A_562 : memref<8x8x129xf32, #tpu.memory_space<vmem>>[vector<16xi32>, vector<16xi32>, vector<16xi32>], vector<16xf32>,
        tpu.vector_store_idx %arg13[%select_n3A, %select_n3A_180, %add3A_519], %mul3A_565 : memref<8x8x129xf32, #tpu.memory_space<vmem>>[vector<16xi32>, vector<16xi32>, vector<16xi32>], vector<16xf32>,
        tpu.vector_store_idx %arg13[%select_n3A_89, %select_n3A_205, %add3A_519], %mul3A_568 : memref<8x8x129xf32, #tpu.memory_space<vmem>>[vector<16xi32>, vector<16xi32>, vector<16xi32>], vector<16xf32>,
        tpu.vector_store_idx %arg13[%select_n3A_123, %select_n3A_230, %add3A_519], %mul3A_571 : memref<8x8x129xf32, #tpu.memory_space<vmem>>[vector<16xi32>, vector<16xi32>, vector<16xi32>], vector<16xf32>,
        tpu.vector_store_idx %arg13[%select_n3A_157, %select_n3A_255, %add3A_519], %mul3A_574 : memref<8x8x129xf32, #tpu.memory_space<vmem>>[vector<16xi32>, vector<16xi32>, vector<16xi32>], vector<16xf32>,
        %scan3A_575 = arith.constant 1 : i32
        %scan3A_576 = arith.addi %scan3A_509, %scan3A_575 : i32
        %mul3A_577 = arith.constant 2 : i32
        %mul3A_578 = arith.muli %scan3A_576, %mul3A_577 : i32
        %add3A_579 = arith.constant 0 : i32
        %add3A_580 = arith.addi %add3A_579, %mul3A_578 : i32
        %broadcast_in_dim3A_581 = arith.constant 0 : i32
        %broadcast_in_dim3A_582 = vector.broadcast %broadcast_in_dim3A_581 : i32 to vector<16xi32>
        %add3A_583 = vector.broadcast %add3A_580 : i32 to vector<16xi32>
        %add3A_584 = arith.addi %broadcast_in_dim3A_582, %add3A_583 : vector<16xi32>
        %add3A_585 = arith.constant 1 : i32
        %add3A_586 = vector.broadcast %add3A_585 : i32 to vector<16xi32>
        %add3A_587 = arith.addi %add3A_584, %add3A_586 : vector<16xi32>
        %get3A_588 = arith.index_cast %add3A_580 : i32 to index
        %get3A_589 = arith.constant 0 : index
        %get3A_590 = tpu.vector_load %arg9[%get3A_588, %get3A_589] {strides = array<i32>} : memref<128x128xf32, #tpu.memory_space<vmem>>, vector<16xf32>,
        %get3A_591 = arith.index_cast %add3A_580 : i32 to index
        %get3A_592 = arith.constant 16 : index
        %get3A_593 = tpu.vector_load %arg9[%get3A_591, %get3A_592] {strides = array<i32>} : memref<128x128xf32, #tpu.memory_space<vmem>>, vector<16xf32>,
        %get3A_594 = arith.index_cast %add3A_580 : i32 to index
        %get3A_595 = arith.constant 32 : index
        %get3A_596 = tpu.vector_load %arg9[%get3A_594, %get3A_595] {strides = array<i32>} : memref<128x128xf32, #tpu.memory_space<vmem>>, vector<16xf32>,
        %get3A_597 = arith.index_cast %add3A_580 : i32 to index
        %get3A_598 = arith.constant 48 : index
        %get3A_599 = tpu.vector_load %arg9[%get3A_597, %get3A_598] {strides = array<i32>} : memref<128x128xf32, #tpu.memory_space<vmem>>, vector<16xf32>,
        %add3A_600 = arith.constant 1 : i32
        %add3A_601 = arith.addi %add3A_580, %add3A_600 : i32
        %get3A_602 = arith.index_cast %add3A_601 : i32 to index
        %get3A_603 = arith.constant 0 : index
        %get3A_604 = tpu.vector_load %arg9[%get3A_602, %get3A_603] {strides = array<i32>} : memref<128x128xf32, #tpu.memory_space<vmem>>, vector<16xf32>,
        %add3A_605 = arith.constant 1 : i32
        %add3A_606 = arith.addi %add3A_580, %add3A_605 : i32
        %get3A_607 = arith.index_cast %add3A_606 : i32 to index
        %get3A_608 = arith.constant 16 : index
        %get3A_609 = tpu.vector_load %arg9[%get3A_607, %get3A_608] {strides = array<i32>} : memref<128x128xf32, #tpu.memory_space<vmem>>, vector<16xf32>,
        %add3A_610 = arith.constant 1 : i32
        %add3A_611 = arith.addi %add3A_580, %add3A_610 : i32
        %get3A_612 = arith.index_cast %add3A_611 : i32 to index
        %get3A_613 = arith.constant 32 : index
        %get3A_614 = tpu.vector_load %arg9[%get3A_612, %get3A_613] {strides = array<i32>} : memref<128x128xf32, #tpu.memory_space<vmem>>, vector<16xf32>,
        %add3A_615 = arith.constant 1 : i32
        %add3A_616 = arith.addi %add3A_580, %add3A_615 : i32
        %get3A_617 = arith.index_cast %add3A_616 : i32 to index
        %get3A_618 = arith.constant 48 : index
        %get3A_619 = tpu.vector_load %arg9[%get3A_617, %get3A_618] {strides = array<i32>} : memref<128x128xf32, #tpu.memory_space<vmem>>, vector<16xf32>,
        %mul3A_620 = arith.constant 8.000000e+00 : f32
        %mul3A_621 = vector.broadcast %mul3A_620 : f32 to vector<16xf32>
        %mul3A_622 = arith.mulf %get3A_590, %mul3A_621 : vector<16xf32>
        %mul3A_623 = arith.constant 8.000000e+00 : f32
        %mul3A_624 = vector.broadcast %mul3A_623 : f32 to vector<16xf32>
        %mul3A_625 = arith.mulf %get3A_593, %mul3A_624 : vector<16xf32>
        %mul3A_626 = arith.constant 8.000000e+00 : f32
        %mul3A_627 = vector.broadcast %mul3A_626 : f32 to vector<16xf32>
        %mul3A_628 = arith.mulf %get3A_596, %mul3A_627 : vector<16xf32>
        %mul3A_629 = arith.constant 8.000000e+00 : f32
        %mul3A_630 = vector.broadcast %mul3A_629 : f32 to vector<16xf32>
        %mul3A_631 = arith.mulf %get3A_599, %mul3A_630 : vector<16xf32>
        %mul3A_632 = arith.constant 8.000000e+00 : f32
        %mul3A_633 = vector.broadcast %mul3A_632 : f32 to vector<16xf32>
        %mul3A_634 = arith.mulf %get3A_604, %mul3A_633 : vector<16xf32>
        %mul3A_635 = arith.constant 8.000000e+00 : f32
        %mul3A_636 = vector.broadcast %mul3A_635 : f32 to vector<16xf32>
        %mul3A_637 = arith.mulf %get3A_609, %mul3A_636 : vector<16xf32>
        %mul3A_638 = arith.constant 8.000000e+00 : f32
        %mul3A_639 = vector.broadcast %mul3A_638 : f32 to vector<16xf32>
        %mul3A_640 = arith.mulf %get3A_614, %mul3A_639 : vector<16xf32>
        %mul3A_641 = arith.constant 8.000000e+00 : f32
        %mul3A_642 = vector.broadcast %mul3A_641 : f32 to vector<16xf32>
        %mul3A_643 = arith.mulf %get3A_619, %mul3A_642 : vector<16xf32>
        tpu.vector_store_idx %arg13[%select_n3A, %select_n3A_180, %add3A_584], %mul3A_622 : memref<8x8x129xf32, #tpu.memory_space<vmem>>[vector<16xi32>, vector<16xi32>, vector<16xi32>], vector<16xf32>,
        tpu.vector_store_idx %arg13[%select_n3A_89, %select_n3A_205, %add3A_584], %mul3A_625 : memref<8x8x129xf32, #tpu.memory_space<vmem>>[vector<16xi32>, vector<16xi32>, vector<16xi32>], vector<16xf32>,
        tpu.vector_store_idx %arg13[%select_n3A_123, %select_n3A_230, %add3A_584], %mul3A_628 : memref<8x8x129xf32, #tpu.memory_space<vmem>>[vector<16xi32>, vector<16xi32>, vector<16xi32>], vector<16xf32>,
        tpu.vector_store_idx %arg13[%select_n3A_157, %select_n3A_255, %add3A_584], %mul3A_631 : memref<8x8x129xf32, #tpu.memory_space<vmem>>[vector<16xi32>, vector<16xi32>, vector<16xi32>], vector<16xf32>,
        tpu.vector_store_idx %arg13[%select_n3A, %select_n3A_180, %add3A_587], %mul3A_634 : memref<8x8x129xf32, #tpu.memory_space<vmem>>[vector<16xi32>, vector<16xi32>, vector<16xi32>], vector<16xf32>,
        tpu.vector_store_idx %arg13[%select_n3A_89, %select_n3A_205, %add3A_587], %mul3A_637 : memref<8x8x129xf32, #tpu.memory_space<vmem>>[vector<16xi32>, vector<16xi32>, vector<16xi32>], vector<16xf32>,
        tpu.vector_store_idx %arg13[%select_n3A_123, %select_n3A_230, %add3A_587], %mul3A_640 : memref<8x8x129xf32, #tpu.memory_space<vmem>>[vector<16xi32>, vector<16xi32>, vector<16xi32>], vector<16xf32>,
        tpu.vector_store_idx %arg13[%select_n3A_157, %select_n3A_255, %add3A_587], %mul3A_643 : memref<8x8x129xf32, #tpu.memory_space<vmem>>[vector<16xi32>, vector<16xi32>, vector<16xi32>], vector<16xf32>,
      }
      %scan3A_483 = arith.constant 64 : i32
      %add3A_484 = arith.constant 4 : i32
      %add3A_485 = arith.addi %add3A_467, %add3A_484 : i32
      %lt3A_486 = arith.constant 200 : i32
      %lt3A_487 = arith.cmpi slt, %add3A_485, %lt3A_486 : i32
      %convert_element_type3A_488 = arith.extui %lt3A_487 : i1 to i32
      %cond3A_489 = arith.constant 0 : i32
      %cond3A_490 = arith.cmpi ne, %convert_element_type3A_488, %cond3A_489 : i32
      scf.if %cond3A_490 {
        %add3A_509 = arith.constant 4 : i32
        %add3A_510 = arith.addi %add3A_467, %add3A_509 : i32
        %dma_start3A_511 = arith.constant 0 : i32
        %dma_start3A_512 = tpu.memref_slice %arg5[%add3A_510, %dma_start3A_511] : memref<200x128xi32, #tpu.memory_space<vmem>> -> memref<1x128xi32, #tpu.memory_space<vmem>>
        %dma_start3A_513 = tpu.memref_squeeze %dma_start3A_512 : memref<1x128xi32, #tpu.memory_space<vmem>> -> memref<128xi32, #tpu.memory_space<vmem>>
        %dma_start3A_514 = arith.constant 0 : i32
        %dma_start3A_515 = arith.constant 0 : i32
        %dma_start3A_516 = tpu.memref_slice %arg3[%dma_start3A_514, %dma_start3A_515] : memref<1000000x128xf32, #tpu.memory_space<hbm>> -> memref<1000000x128xf32, #tpu.memory_space<hbm>>
        tpu.enqueue_indirect_dma source(%dma_start3A_516 : memref<1000000x128xf32, #tpu.memory_space<hbm>>) target(%arg9 : memref<128x128xf32, #tpu.memory_space<vmem>>) offsets(%dma_start3A_513 : memref<128xi32, #tpu.memory_space<vmem>>) semaphore(%arg17 : memref<!tpu.dma_semaphore, #tpu.memory_space<semaphore_mem>>)
      } else {
      }
      %dma_start3A_491 = arith.constant 0 : i32
      %dma_start3A_492 = arith.constant 0 : i32
      %dma_start3A_493 = arith.constant 0 : i32
      %dma_start3A_494 = tpu.memref_slice %arg13[%dma_start3A_491, %dma_start3A_492, %dma_start3A_493] : memref<8x8x129xf32, #tpu.memory_space<vmem>> -> memref<8x8x128xf32, #tpu.memory_space<vmem>>
      %dma_start3A_495 = arith.constant 0 : i32
      %dma_start3A_496 = arith.constant 0 : i32
      %dma_start3A_497 = arith.constant 0 : i32
      %dma_start3A_498 = tpu.memref_slice %arg4[%add3A_467, %dma_start3A_495, %add3A, %dma_start3A_496, %dma_start3A_497] : memref<200x8x32x8x128xf32, #tpu.memory_space<hbm>> -> memref<1x8x1x8x128xf32, #tpu.memory_space<hbm>>
      %dma_start3A_499 = tpu.memref_squeeze %dma_start3A_498 : memref<1x8x1x8x128xf32, #tpu.memory_space<hbm>> -> memref<8x8x128xf32, #tpu.memory_space<hbm>>
      %dma_start3A_500 = arith.constant 0 : i32
      %dma_start3A_501 = arith.constant 0 : i32
      %dma_start3A_502 = arith.constant 0 : i32
      %dma_start3A_503 = tpu.memref_slice %arg4[%add3A_467, %dma_start3A_500, %add3A, %dma_start3A_501, %dma_start3A_502] : memref<200x8x32x8x128xf32, #tpu.memory_space<hbm>> -> memref<1x8x1x8x128xf32, #tpu.memory_space<hbm>>
      %dma_start3A_504 = tpu.memref_squeeze %dma_start3A_503 : memref<1x8x1x8x128xf32, #tpu.memory_space<hbm>> -> memref<8x8x128xf32, #tpu.memory_space<hbm>>
      %dma_start3A_505 = arith.constant 0 : i32
      %dma_start3A_506 = arith.constant 0 : i32
      %dma_start3A_507 = arith.constant 0 : i32
      %dma_start3A_508 = tpu.memref_slice %arg13[%dma_start3A_505, %dma_start3A_506, %dma_start3A_507] : memref<8x8x129xf32, #tpu.memory_space<vmem>> -> memref<8x8x128xf32, #tpu.memory_space<vmem>>
      tpu.enqueue_dma source(%dma_start3A_508 : memref<8x8x128xf32, #tpu.memory_space<vmem>>) target(%dma_start3A_504 : memref<8x8x128xf32, #tpu.memory_space<hbm>>) target_semaphore(%arg21 : memref<!tpu.dma_semaphore, #tpu.memory_space<semaphore_mem>>)
    }
    %scan3A_259 = arith.constant 50 : i32
    %dma_wait3A = arith.constant 196 : i32
    %dma_wait3A_260 = arith.constant 0 : i32
    %dma_wait3A_261 = arith.constant 0 : i32
    %dma_wait3A_262 = arith.constant 0 : i32
    %dma_wait3A_263 = tpu.memref_slice %arg10[%dma_wait3A_260, %dma_wait3A_261, %dma_wait3A_262] : memref<8x8x129xf32, #tpu.memory_space<vmem>> -> memref<8x8x128xf32, #tpu.memory_space<vmem>>
    %dma_wait3A_264 = arith.constant 0 : i32
    %dma_wait3A_265 = arith.constant 0 : i32
    %dma_wait3A_266 = arith.constant 0 : i32
    %dma_wait3A_267 = tpu.memref_slice %arg4[%dma_wait3A, %dma_wait3A_264, %add3A, %dma_wait3A_265, %dma_wait3A_266] : memref<200x8x32x8x128xf32, #tpu.memory_space<hbm>> -> memref<1x8x1x8x128xf32, #tpu.memory_space<hbm>>
    %dma_wait3A_268 = tpu.memref_squeeze %dma_wait3A_267 : memref<1x8x1x8x128xf32, #tpu.memory_space<hbm>> -> memref<8x8x128xf32, #tpu.memory_space<hbm>>
    %dma_wait3A_269 = arith.constant 0 : i32
    %dma_wait3A_270 = arith.constant 0 : i32
    %dma_wait3A_271 = arith.constant 0 : i32
    %dma_wait3A_272 = tpu.memref_slice %arg4[%dma_wait3A, %dma_wait3A_269, %add3A, %dma_wait3A_270, %dma_wait3A_271] : memref<200x8x32x8x128xf32, #tpu.memory_space<hbm>> -> memref<1x8x1x8x128xf32, #tpu.memory_space<hbm>>
    %dma_wait3A_273 = tpu.memref_squeeze %dma_wait3A_272 : memref<1x8x1x8x128xf32, #tpu.memory_space<hbm>> -> memref<8x8x128xf32, #tpu.memory_space<hbm>>
    %dma_wait3A_274 = arith.constant 0 : i32
    %dma_wait3A_275 = arith.constant 0 : i32
    %dma_wait3A_276 = arith.constant 0 : i32
    %dma_wait3A_277 = tpu.memref_slice %arg10[%dma_wait3A_274, %dma_wait3A_275, %dma_wait3A_276] : memref<8x8x129xf32, #tpu.memory_space<vmem>> -> memref<8x8x128xf32, #tpu.memory_space<vmem>>
    tpu.wait_dma2 semaphore(%arg18 : memref<!tpu.dma_semaphore, #tpu.memory_space<semaphore_mem>>) src(%dma_wait3A_277 : memref<8x8x128xf32, #tpu.memory_space<vmem>>) dst(%dma_wait3A_273 : memref<8x8x128xf32, #tpu.memory_space<hbm>>)
    %dma_wait3A_278 = arith.constant 197 : i32
    %dma_wait3A_279 = arith.constant 0 : i32
    %dma_wait3A_280 = arith.constant 0 : i32
    %dma_wait3A_281 = arith.constant 0 : i32
    %dma_wait3A_282 = tpu.memref_slice %arg11[%dma_wait3A_279, %dma_wait3A_280, %dma_wait3A_281] : memref<8x8x129xf32, #tpu.memory_space<vmem>> -> memref<8x8x128xf32, #tpu.memory_space<vmem>>
    %dma_wait3A_283 = arith.constant 0 : i32
    %dma_wait3A_284 = arith.constant 0 : i32
    %dma_wait3A_285 = arith.constant 0 : i32
    %dma_wait3A_286 = tpu.memref_slice %arg4[%dma_wait3A_278, %dma_wait3A_283, %add3A, %dma_wait3A_284, %dma_wait3A_285] : memref<200x8x32x8x128xf32, #tpu.memory_space<hbm>> -> memref<1x8x1x8x128xf32, #tpu.memory_space<hbm>>
    %dma_wait3A_287 = tpu.memref_squeeze %dma_wait3A_286 : memref<1x8x1x8x128xf32, #tpu.memory_space<hbm>> -> memref<8x8x128xf32, #tpu.memory_space<hbm>>
    %dma_wait3A_288 = arith.constant 0 : i32
    %dma_wait3A_289 = arith.constant 0 : i32
    %dma_wait3A_290 = arith.constant 0 : i32
    %dma_wait3A_291 = tpu.memref_slice %arg4[%dma_wait3A_278, %dma_wait3A_288, %add3A, %dma_wait3A_289, %dma_wait3A_290] : memref<200x8x32x8x128xf32, #tpu.memory_space<hbm>> -> memref<1x8x1x8x128xf32, #tpu.memory_space<hbm>>
    %dma_wait3A_292 = tpu.memref_squeeze %dma_wait3A_291 : memref<1x8x1x8x128xf32, #tpu.memory_space<hbm>> -> memref<8x8x128xf32, #tpu.memory_space<hbm>>
    %dma_wait3A_293 = arith.constant 0 : i32
    %dma_wait3A_294 = arith.constant 0 : i32
    %dma_wait3A_295 = arith.constant 0 : i32
    %dma_wait3A_296 = tpu.memref_slice %arg11[%dma_wait3A_293, %dma_wait3A_294, %dma_wait3A_295] : memref<8x8x129xf32, #tpu.memory_space<vmem>> -> memref<8x8x128xf32, #tpu.memory_space<vmem>>
    tpu.wait_dma2 semaphore(%arg19 : memref<!tpu.dma_semaphore, #tpu.memory_space<semaphore_mem>>) src(%dma_wait3A_296 : memref<8x8x128xf32, #tpu.memory_space<vmem>>) dst(%dma_wait3A_292 : memref<8x8x128xf32, #tpu.memory_space<hbm>>)
    %dma_wait3A_297 = arith.constant 198 : i32
    %dma_wait3A_298 = arith.constant 0 : i32
    %dma_wait3A_299 = arith.constant 0 : i32
    %dma_wait3A_300 = arith.constant 0 : i32
    %dma_wait3A_301 = tpu.memref_slice %arg12[%dma_wait3A_298, %dma_wait3A_299, %dma_wait3A_300] : memref<8x8x129xf32, #tpu.memory_space<vmem>> -> memref<8x8x128xf32, #tpu.memory_space<vmem>>
    %dma_wait3A_302 = arith.constant 0 : i32
    %dma_wait3A_303 = arith.constant 0 : i32
    %dma_wait3A_304 = arith.constant 0 : i32
    %dma_wait3A_305 = tpu.memref_slice %arg4[%dma_wait3A_297, %dma_wait3A_302, %add3A, %dma_wait3A_303, %dma_wait3A_304] : memref<200x8x32x8x128xf32, #tpu.memory_space<hbm>> -> memref<1x8x1x8x128xf32, #tpu.memory_space<hbm>>
    %dma_wait3A_306 = tpu.memref_squeeze %dma_wait3A_305 : memref<1x8x1x8x128xf32, #tpu.memory_space<hbm>> -> memref<8x8x128xf32, #tpu.memory_space<hbm>>
    %dma_wait3A_307 = arith.constant 0 : i32
    %dma_wait3A_308 = arith.constant 0 : i32
    %dma_wait3A_309 = arith.constant 0 : i32
    %dma_wait3A_310 = tpu.memref_slice %arg4[%dma_wait3A_297, %dma_wait3A_307, %add3A, %dma_wait3A_308, %dma_wait3A_309] : memref<200x8x32x8x128xf32, #tpu.memory_space<hbm>> -> memref<1x8x1x8x128xf32, #tpu.memory_space<hbm>>
    %dma_wait3A_311 = tpu.memref_squeeze %dma_wait3A_310 : memref<1x8x1x8x128xf32, #tpu.memory_space<hbm>> -> memref<8x8x128xf32, #tpu.memory_space<hbm>>
    %dma_wait3A_312 = arith.constant 0 : i32
    %dma_wait3A_313 = arith.constant 0 : i32
    %dma_wait3A_314 = arith.constant 0 : i32
    %dma_wait3A_315 = tpu.memref_slice %arg12[%dma_wait3A_312, %dma_wait3A_313, %dma_wait3A_314] : memref<8x8x129xf32, #tpu.memory_space<vmem>> -> memref<8x8x128xf32, #tpu.memory_space<vmem>>
    tpu.wait_dma2 semaphore(%arg20 : memref<!tpu.dma_semaphore, #tpu.memory_space<semaphore_mem>>) src(%dma_wait3A_315 : memref<8x8x128xf32, #tpu.memory_space<vmem>>) dst(%dma_wait3A_311 : memref<8x8x128xf32, #tpu.memory_space<hbm>>)
    %dma_wait3A_316 = arith.constant 199 : i32
    %dma_wait3A_317 = arith.constant 0 : i32
    %dma_wait3A_318 = arith.constant 0 : i32
    %dma_wait3A_319 = arith.constant 0 : i32
    %dma_wait3A_320 = tpu.memref_slice %arg13[%dma_wait3A_317, %dma_wait3A_318, %dma_wait3A_319] : memref<8x8x129xf32, #tpu.memory_space<vmem>> -> memref<8x8x128xf32, #tpu.memory_space<vmem>>
    %dma_wait3A_321 = arith.constant 0 : i32
    %dma_wait3A_322 = arith.constant 0 : i32
    %dma_wait3A_323 = arith.constant 0 : i32
    %dma_wait3A_324 = tpu.memref_slice %arg4[%dma_wait3A_316, %dma_wait3A_321, %add3A, %dma_wait3A_322, %dma_wait3A_323] : memref<200x8x32x8x128xf32, #tpu.memory_space<hbm>> -> memref<1x8x1x8x128xf32, #tpu.memory_space<hbm>>
    %dma_wait3A_325 = tpu.memref_squeeze %dma_wait3A_324 : memref<1x8x1x8x128xf32, #tpu.memory_space<hbm>> -> memref<8x8x128xf32, #tpu.memory_space<hbm>>
    %dma_wait3A_326 = arith.constant 0 : i32
    %dma_wait3A_327 = arith.constant 0 : i32
    %dma_wait3A_328 = arith.constant 0 : i32
    %dma_wait3A_329 = tpu.memref_slice %arg4[%dma_wait3A_316, %dma_wait3A_326, %add3A, %dma_wait3A_327, %dma_wait3A_328] : memref<200x8x32x8x128xf32, #tpu.memory_space<hbm>> -> memref<1x8x1x8x128xf32, #tpu.memory_space<hbm>>
    %dma_wait3A_330 = tpu.memref_squeeze %dma_wait3A_329 : memref<1x8x1x8x128xf32, #tpu.memory_space<hbm>> -> memref<8x8x128xf32, #tpu.memory_space<hbm>>
    %dma_wait3A_331 = arith.constant 0 : i32
    %dma_wait3A_332 = arith.constant 0 : i32
    %dma_wait3A_333 = arith.constant 0 : i32
    %dma_wait3A_334 = tpu.memref_slice %arg13[%dma_wait3A_331, %dma_wait3A_332, %dma_wait3A_333] : memref<8x8x129xf32, #tpu.memory_space<vmem>> -> memref<8x8x128xf32, #tpu.memory_space<vmem>>
    tpu.wait_dma2 semaphore(%arg21 : memref<!tpu.dma_semaphore, #tpu.memory_space<semaphore_mem>>) src(%dma_wait3A_334 : memref<8x8x128xf32, #tpu.memory_space<vmem>>) dst(%dma_wait3A_330 : memref<8x8x128xf32, #tpu.memory_space<hbm>>)
    return
  }
}

</mosaic_0001>

<sc_bundles>
// kernel: kernel.3.cloned.1.call-start
scs
__scs_entry_jumppad:
0x0: {  	(pc) =	sbr.rel $0x88, $3  }
0x1: {  	(tag) =	ssettag $0x0;
	lr =	simm.s32 $0x1  }
0x2: {  	[smem:$0x3F9F] =	sst lr;
	_ =	strace $0xD0000000  }
0x3: {  	_ = 	snop  }
0x4: {  	_ = 	snop  }
0x5: {  	_ = 	snop  }
0x6: {  	_ = 	snop  }
0x7: {  	_ = 	snop  }
__scs_overlays_trampoline_lowered:
0x8: {  	[smem:$0x3FAE] =	sst s0  }
0x9: {  	[smem:$0x3FAF] =	sst s1  }
0xa: {  	[smem:$0x3FB0] =	sst s2  }
0xb: {  	[smem:$0x3FB1] =	sst s3  }
0xc: {  	[smem:$0x3FB2] =	sst s4  }
0xd: {  	[smem:$0x3FB3] =	sst s5  }
0xe: {  	[smem:$0x3FB4] =	sst s6  }
0xf: {  	[smem:$0x3FB5] =	sst s7  }
0x10: {  	[smem:$0x3FB6] =	sst s8  }
0x11: {  	[smem:$0x3FB7] =	sst s9;
	s0 =	simm.s32 @!p0 $0x0  }
0x12: {  	s1 =	sld [smem:$0x3F9D];
	s0 =	simm.s32 @p0 $0x1  }
0x13: {  	[smem:$0x3FB8] =	sst s0;
	s0 =	simm.s32 @!p1 $0x0  }
0x14: {  	s2 =	sld [smem:$0x3F9C];
	s0 =	simm.s32 @p1 $0x1  }
0x15: {  	[smem:$0x3FB9] =	sst s0;
	s0 =	simm.s32 @!p2 $0x0  }
0x16: {  	s3 =	sld [smem:$0x3FDB];
	s0 =	simm.s32 @p2 $0x1  }
0x17: {  	s4 =	simm.s32 $0x1BF5;
	[smem:$0x3FBB] =	sst s0  }
0x18: {  	s0 =	sld [smem:$0x3F9E];
	_ =	swait.ge [sflag:s4], $0x0  }
0x19: {  	s7 =	sld [smem:$0x3F9F]  }
0x1a: {  	s8 =	sadd.s32 $0xFFFFE003, lr  }
0x1b: {  	s9 =	sadd.s32 $0xFFFFFEF7, lr;
	s5 =	simm.s32 $0xFFFFFFFF;
	p2 =	slt.u32 s8, $0xFFFFF086  }
0x1c: {  	p1 =	slt.u32 s9, $0xF7A;
	s5 =	simm.s32 @!p2 $0x0  }
0x1d: {  	s5 =	simm.s32 @p1 $0x1;
	p0 =	seq.s32 s7, s2  }
0x1e: {  	s7 =	smul.u32 @!p0 $0xF7A, s2;
	p2 =	seq.s32 @!p0 s5, $0x0  }
0x1f: {  	s9 =	smul.u32 $0xF7A, s1;
	s8 =	simm.s32 @!p0 $0x1BF5;
	p2 =	por !p2, p0  }
0x20: {  	[sflag:s8] =	ssyncset.s32 @!p0 $0xFFFFF086;
	s6 =	sadd.s32 @!p0 s3, s7;
	s7 =	simm.s32 @!p0 $0x108  }
0x21: {  	s3 =	sadd.s32 s3, s9;
	s6 =	sadd.s32 @!p0 $0x88, s6;
	s7 =	simm.s32 @p2 $0x1082  }
0x22: {  	[simem:s7], [sflag:s8] =	dma.local @!p0 [hbm:s6], $0xF7A  }
0x23: {  	s9 =	sor.u32 $0xD0000000, s2;
	s6 =	simm.s32 $0x108;
	_ =	swait.ge @!p0 [sflag:s8], $0x0  }
0x24: {  	s3 =	sadd.s32 $0x88, s3;
	s6 =	simm.s32 @!p1 $0x1082;
	[sflag:s4] =	ssyncset.s32 $0xFFFFF086  }
0x25: {  	[simem:s6], [sflag:s4] =	dma.local [hbm:s3], $0xF7A  }
0x26: {  	[smem:$0x3F9F] =	sst s1;
	(tag) =	ssettag s2;
	_ =	strace s9  }
0x27: {  	s1 =	sld [smem:$0x3FAF]  }
0x28: {  	s2 =	sld [smem:$0x3FB0]  }
0x29: {  	s4 =	sld [smem:$0x3FB2]  }
0x2a: {  	p0 =	seq.s32 s5, $0x0;
	s5 =	sld [smem:$0x3FB3]  }
0x2b: {  	s6 =	sld [smem:$0x3FB4]  }
0x2c: {  	s7 =	sld [smem:$0x3FB5]  }
0x2d: {  	s3 =	simm.s32 $0x108;
	s8 =	sld [smem:$0x3FB6]  }
0x2e: {  	s3 =	simm.s32 @!p0 $0x1082;
	s9 =	sld [smem:$0x3FB7]  }
0x2f: {  	lr =	sadd.s32 s0, s3;
	s0 =	sld [smem:$0x3FAE]  }
0x30: {  	s3 =	sld [smem:$0x3FB1]  }
0x31: {  	[smem:$0x3FBA] =	sst s10  }
0x32: {  	s10 =	sld [smem:$0x3FB8];
	_ =	sdelay $0x3  }
0x33: {  	p0 =	seq.s32 s10, $0x1;
	s10 =	sld [smem:$0x3FBA];
	_ =	sdelay $0x3  }
0x34: {  	[smem:$0x3FBA] =	sst s10  }
0x35: {  	s10 =	sld [smem:$0x3FB9];
	_ =	sdelay $0x3  }
0x36: {  	p1 =	seq.s32 s10, $0x1;
	s10 =	sld [smem:$0x3FBA];
	_ =	sdelay $0x3  }
0x37: {  	[smem:$0x3FBA] =	sst s10  }
0x38: {  	s10 =	sld [smem:$0x3FBB]  }
0x39: {  	_ = 	snop;
	(pc) =	sbr.ind lr, $3  }
0x3a: {  	_ = 	snop  }
0x3b: {  	_ = 	snop  }
0x3c: {  	p2 =	seq.s32 s10, $0x1;
	s10 =	sld [smem:$0x3FBA]  }
0x3d: {  	_ =	shalt  }
0x3e: {  	_ =	shalt  }
0x3f: {  	_ =	shalt  }
0x40: {  	_ =	shalt  }
0x41: {  	_ =	shalt  }
0x42: {  	_ =	shalt  }
0x43: {  	_ =	shalt  }
0x44: {  	_ =	shalt  }
0x45: {  	_ =	shalt  }
0x46: {  	_ =	shalt  }
0x47: {  	_ =	shalt  }
0x48: {  	_ =	shalt  }
0x49: {  	_ =	shalt  }
0x4a: {  	_ =	shalt  }
0x4b: {  	_ =	shalt  }
0x4c: {  	_ =	shalt  }
0x4d: {  	_ =	shalt  }
0x4e: {  	_ =	shalt  }
0x4f: {  	_ =	shalt  }
0x50: {  	_ =	shalt  }
0x51: {  	_ =	shalt  }
0x52: {  	_ =	shalt  }
0x53: {  	_ =	shalt  }
0x54: {  	_ =	shalt  }
0x55: {  	_ =	shalt  }
0x56: {  	_ =	shalt  }
0x57: {  	_ =	shalt  }
0x58: {  	_ =	shalt  }
0x59: {  	_ =	shalt  }
0x5a: {  	_ =	shalt  }
0x5b: {  	_ =	shalt  }
0x5c: {  	_ =	shalt  }
0x5d: {  	_ =	shalt  }
0x5e: {  	_ =	shalt  }
0x5f: {  	_ =	shalt  }
0x60: {  	_ =	shalt  }
0x61: {  	_ =	shalt  }
0x62: {  	_ =	shalt  }
0x63: {  	_ =	shalt  }
0x64: {  	_ =	shalt  }
0x65: {  	_ =	shalt  }
0x66: {  	_ =	shalt  }
0x67: {  	_ =	shalt  }
0x68: {  	_ =	shalt  }
0x69: {  	_ =	shalt  }
0x6a: {  	_ =	shalt  }
0x6b: {  	_ =	shalt  }
0x6c: {  	_ =	shalt  }
0x6d: {  	_ =	shalt  }
0x6e: {  	_ =	shalt  }
0x6f: {  	_ =	shalt  }
0x70: {  	_ =	shalt  }
0x71: {  	_ =	shalt  }
0x72: {  	_ =	shalt  }
0x73: {  	_ =	shalt  }
0x74: {  	_ =	shalt  }
0x75: {  	_ =	shalt  }
0x76: {  	_ =	shalt  }
0x77: {  	_ =	shalt  }
0x78: {  	_ =	shalt  }
0x79: {  	_ =	shalt  }
0x7a: {  	_ =	shalt  }
0x7b: {  	_ =	shalt  }
0x7c: {  	_ =	shalt  }
0x7d: {  	_ =	shalt  }
0x7e: {  	_ =	shalt  }
0x7f: {  	_ =	shalt  }
0x80: {  	_ =	shalt  }
0x81: {  	_ =	shalt  }
0x82: {  	_ =	shalt  }
0x83: {  	_ =	shalt  }
0x84: {  	_ =	shalt  }
0x85: {  	_ =	shalt  }
0x86: {  	_ =	shalt  }
0x87: {  	_ =	shalt  }
.Lfunc_end0:
.L_simem_size_0:
called_computation_lowered:
.L_overlay_start_0:
0x88: {  	s2 =	sld [smem:$0x3FD9]  }
0x89: {  	s3 =	sld [smem:$0x3FFE];
	_ =	sdelay $0x1  }
0x8a: {  	s1 =	srdreg.scid  }
0x8b: {  	s0 =	sand.u32 $0x1, s1  }
0x8c: {  	s17 =	sshll.u32 s0, $0xA;
	s2 =	sadd.s32 s3, s2  }
0x8d: {  	s2 =	sadd.s32 s2, s17  }
0x8e: {  	[smem:$0x3FC6] =	sst s2  }
0x8f: {  	_ = 	snop  }
0x90: {  	s2 =	sld [smem:$0x3FD0];
	(tm) =	ssettm $0x1  }
0x91: {  	s18 =	sld [smem:$0x3FFB];
	_ =	sdelay $0x3  }
0x92: {  	_ =	strace s18  }
0x93: {  	s3 =	sld [smem:$0x3FFC];
	_ =	sdelay $0x3  }
0x94: {  	_ =	strace s3  }
0x95: {  	s3 =	sld [smem:$0x3FFD];
	_ =	sdelay $0x3  }
0x96: {  	_ =	strace s3  }
0x97: {  	_ =	strace $0x8FFFFFFF  }
0x98: {  	s19 =	sld [smem:$0x3FDB];
	_ =	sdelay $0x1  }
0x99: {  	s4 =	simm.s32 $_scs_section_size  }
0x9a: {  	s5 =	simm.s32 $_size__tile_overlayer_lowered;
	s6 =	simm.s32 $_tile_overlayer_lowered  }
0x9b: {  	s22 =	simm.s32 $0x1BFF;
	s21 =	sshll.u32 s6, $0x1;
	s3 =	sadd.s32 s4, s19  }
0x9c: {  	s7 =	simm.s32 $0x0;
	s20 =	sshll.u32 s5, $0x1;
	s5 =	sadd.s32 s21, s3  }
0x9d: {  	[timem:s7], [sflag:s22] =	dma.local [hbm:s5], s20  }
0x9e: {  	_ =	swait.ge [sflag:s22], s20  }
0x9f: {  	s4 =	ssub.s32 $0x0, s20;
	[sflag:s22] =	ssyncset.done $0x0  }
0xa0: {  	[sflag:s22] =	ssyncadd.s32 s4;
	_ =	sdelay $0x1  }
0xa1: {  	s23 =	simm.s32 $0x1B8B  }
0xa2: {  	_ =	swait.ge [sflag:s23], $0x1  }
0xa3: {  	[sflag:s23] =	ssyncset.done $0x0  }
0xa4: {  	s25 =	simm.s32 $0x1B8E;
	s24 =	sld [smem:$0x3FFE];
	[sflag:s23] =	ssyncadd.s32 $0xFFFFFFFF  }
0xa5: {  	s26 =	simm.s32 $execute0_lowered;
	[smem:$0x3FD2] =	sst s25  }
0xa6: {  	s5 =	sshll.u32 s26, $0x1;
	_ =	strace $0x80000046;
	[dreg:$0x1] =	wrdreg $0xFFFFFFFF  }
0xa7: {  	s28 =	simm.s32 $_size_execute0_lowered;
	s3 =	sadd.s32 s3, s5;
	[dreg:$0x0] =	wrdreg $0x0  }
0xa8: {  	s5 =	sshll.u32 s28, $0x1;
	[dreg:$0x2] =	wrdreg s3  }
0xa9: {  	[dreg:$0x3] =	wrdreg s5  }
0xaa: {  	[dreg:$0x4] =	wrdreg $0xC0  }
0xab: {  	_ =	task [dreg:s7], $0x5FFFF  }
0xac: {  	[dreg:$0x1] =	wrdreg $0xFFFFFFFF  }
0xad: {  	[dreg:$0x0] =	wrdreg $0x60  }
0xae: {  	[dreg:$0x2] =	wrdreg s24  }
0xaf: {  	[dreg:$0x3] =	wrdreg s2  }
0xb0: {  	[dreg:$0x4] =	wrdreg $0x9  }
0xb1: {  	_ =	task.clear_ibuf [dreg:s7], $0x5FFFF;
	_ =	strace $0x90000046  }
0xb2: {  	s29 =	simm.s32 $0x9;
	_ =	strace $0x80000048  }
0xb3: {  	_ =	swait.ge [sflag:s29], $0x1  }
0xb4: {  	[sflag:s29] =	ssyncadd.s32 $0xFFFFFFFF  }
0xb5: {  	_ =	strace $0x90000048  }
0xb6: {  	_ =	sfence  }
0xb7: {  	s30 =	sld [smem:$0x0];
	_ =	sdelay $0x2  }
0xb8: {  	s31 =	sshll.u32 s1, $0xD;
	s1 =	sshrl.u32 s1, $0x2  }
0xb9: {  	s3 =	sand.u32 $0x4000, s31;
	s1 =	sadd.s32 s1, s30  }
0xba: {  	s0 =	sor.u32 s3, s0;
	s1 =	sshll.u32 s1, $0x11  }
0xbb: {  	s0 =	sor.u32 s1, s0  }
0xbc: {  	s0 =	sadd.s32 $0x8F2B, s0  }
0xbd: {  	[sflag:s0] =	ssyncadd.remote.s32 $0x1  }
0xbe: {  	_ =	sfence.sel $0xFFFF  }
0xbf: {  	[dreg:$0x0] =	wrdreg $0xFFFFFFFF;
	(pc) =	sbr.abs _section_cstart, $3  }
0xc0: {  	[dreg:$0x1] =	wrdreg $0xFFFFFFFF  }
0xc1: {  	_ =	task.clear_ibuf [dreg:s7], $0x2FFFF;
	_ =	strace $0x9FFFFFFF  }
0xc2: {  	(tm) =	ssettm $0x7FFFFFFF  }
0xc3: {  	_ =	shalt  }
tec
execute0_lowered:
.L_overlay_start_1:
0x0: {  	(tag) =	ssettag $0x1  }
0x1: {  	s0 =	rddreg [dreg:$0x0]  }
0x2: {  	s1 =	srdreg.scid;
	s3 =	stileid.u32  }
0x3: {  	s2 =	rddreg [dreg:$0x1];
	s11 =	simm.s32 $0x80;
	s13 =	simm.s32 $0x9  }
0x4: {  	s20 =	simm.s32 $0x1;
	s21 =	simm.s32 $0x16400;
	s22 =	simm.s32 $0x2  }
0x5: {  	s23 =	simm.s32 $0x18600;
	s24 =	simm.s32 $0x3;
	s28 =	simm.s32 $0x1CA00  }
0x6: {  	s29 =	simm.s32 $0x5;
	s30 =	simm.s32 $0x6;
	s31 =	simm.s32 $0x7  }
0x7: {  	s1 =	sand.u32 $0x1, s1;
	s4 =	sshll.u32 s3, $0x1;
	s3 =	simm.s32 $0x0  }
0x8: {  	s8 =	sadd.s32 $0x10000, s2;
	s9 =	sadd.s32 $0x18000, s2;
	s5 =	sor.u32 s1, s4  }
0x9: {  	[smem:$0x7FF] =	sst s3;
	s1 =	ssub.s32 $0x2, s1;
	s4 =	sshll.u32 s5, $0x4  }
0xa: {  	_ =	strace $0x80000047;
	s7 =	sshrl.u32 s1, $0x1;
	s6 =	sadd.s32 s4, s0  }
0xb: {  	v0 =	vlaneseq.u32;
	s4 =	sadd.s32 $0xF5BA00, s0;
	s25 =	ssub.s32 s1, s7;
	s7 =	sadd.s32 $0x8000, s2  }
0xc: {  	v0 =	vmul.u32 $0x88, v0;
	s1 =	simm.s32 $0x8;
	s26 =	sadd.s32 $0xF42A00, s6;
	s6 =	sshll.u32 s5, $0x7  }
0xd: {  	s0 =	smax.u32 s25, $0x1;
	s25 =	simm.s32 $0x1A800;
	[dreg:$0x3] =	wrdreg s26  }
0xe: {  	v1 =	vadd.s32 $0x880, v0;
	v2 =	vadd.s32 $0x1100, v0;
	v3 =	vadd.s32 $0x1980, v0;
	[dreg:$0x4] =	wrdreg s0;
	s26 =	simm.s32 $0x4;
	s0 =	simm.s32 $0x0  }
.LBB2_1:
0xf: {  	s5 =	rddreg [dreg:$0x3];
	s10 =	simm.s32 $0x1000  }
0x10: {  	[tilespmem:s3], [sflag:$0x9] =	stream.strided.gather [hbm4b:s5+s11], $0x6400, s10, s11, $0x38;
	[tilespmem:$0x1EC00] =	vst v63  }
0x11: {  	_ =	swait.ge [sflag:s13], $0x6400  }
0x12: {  	[sflag:s13] =	ssyncset.done $0x0  }
0x13: {  	s14 =	simm.s32 $0x6400;
	[sflag:s13] =	ssyncadd.s32 $0xFFFF9C00  }
0x14: {  	[tilespmem:s14], [sflag:$0x1] =	stream.indirect.gather [hbm4b:s4+s11], $0x80, s3, s11, $0xb8;
	[tilespmem:$0x1EC00] =	vst v63  }
0x15: {  	s15 =	simm.s32 $0xA400  }
0x16: {  	[tilespmem:s15], [sflag:$0x2] =	stream.indirect.gather [hbm4b:s4+s11], $0x80, s11, s11, $0xb8;
	[tilespmem:$0x1EC00] =	vst v63  }
0x17: {  	s16 =	simm.s32 $0x100;
	s17 =	simm.s32 $0xE400  }
0x18: {  	[tilespmem:s17], [sflag:$0x3] =	stream.indirect.gather [hbm4b:s4+s11], $0x80, s16, s11, $0xb8;
	[tilespmem:$0x1EC00] =	vst v63  }
0x19: {  	s18 =	simm.s32 $0x180;
	s19 =	simm.s32 $0x12400;
	s12 =	simm.s32 $0x0  }
0x1a: {  	[tilespmem:s19], [sflag:$0x4] =	stream.indirect.gather [hbm4b:s4+s11], $0x80, s18, s11, $0xb8;
	[tilespmem:$0x1EC00] =	vst v63  }
.LBB2_2:
0x1b: {  	_ =	swait.ge [sflag:s20], $0x4000  }
0x1c: {  	p0 =	seq.s32 s12, $0x0;
	[sflag:s20] =	ssyncset.done $0x0  }
0x1d: {  	s5 =	simm.s32 @!p0 $0x5;
	[sflag:s20] =	ssyncadd.s32 $0xFFFFC000  }
0x1e: {  	_ =	swait.ge @!p0 [sflag:s5], $0x2000  }
0x1f: {  	s16 =	simm.s32 $0x0;
	[sflag:s5] =	ssyncset.done @!p0 $0x0  }
0x20: {  	s15 =	simm.s32 $0x6500;
	v4 =	vmov s16;
	[sflag:s5] =	ssyncadd.s32 @!p0 $0xFFFFE000  }
0x21: {  	v6 =	vand.u32 $0x78, v4;
	v7 =	vld [tilespmem:s15+$0xFFFFFF00]  }
0x22: {  	v4 =	vand.u32 $0x4, v4;
	v8 =	vadd.s32 v0, v6;
	v5 =	vld [tilespmem:s15+$0xFFFFFF10]  }
0x23: {  	v11 =	vadd.s32 v1, v6;
	v10 =	vor.u32 v4, v8;
	v12 =	vld [tilespmem:s15+$0xFFFFFF20]  }
0x24: {  	v13 =	vadd.s32 v2, v6;
	v14 =	vor.u32 v4, v11;
	v15 =	vld [tilespmem:s15+$0xFFFFFF30]  }
0x25: {  	v16 =	vadd.s32 v3, v6;
	v17 =	vor.u32 v4, v13;
	v18 =	vld [tilespmem:s15+$0xFFFFFF80]  }
0x26: {  	v19 =	vor.u32 v4, v16;
	v4 =	vor.u32 $0x1, v4;
	v20 =	vld [tilespmem:s15+$0xFFFFFF90];
	v6 =	vmul.f32 $8.000000000e+00, v7  }
0x27: {  	v9 =	vld [tilespmem:s15+$0xFFFFFFA0];
	v7 =	vor.u32 v4, v8;
	v5 =	vmul.f32 $8.000000000e+00, v5  }
0x28: {  	v8 =	vld [tilespmem:s15+$0xFFFFFFB0];
	[tilespmem:v10+s21+$0x0] =	vst.idx.msk $0xffff, v6;
	v10 =	vmul.f32 $8.000000000e+00, v12;
	v6 =	vor.u32 v4, v11  }
0x29: {  	v61 =	vmul.f32 $8.000000000e+00, v15;
	[tilespmem:v14+s21+$0x0] =	vst.idx.msk $0xffff, v5;
	v5 =	vor.u32 v4, v13  }
0x2a: {  	s19 =	simm.s32 $0x2;
	v62 =	vmul.f32 $8.000000000e+00, v18;
	v4 =	vor.u32 v4, v16;
	[tilespmem:v17+s21+$0x0] =	vst.idx.msk $0xffff, v10  }
0x2b: {  	v63 =	vmov s19;
	v10 =	vmul.f32 $8.000000000e+00, v20;
	[tilespmem:v19+s21+$0x0] =	vst.idx.msk $0xffff, v61  }
0x2c: {  	s14 =	sshll.u32 s12, $0xB;
	s18 =	simm.s32 $0x0;
	s17 =	simm.s32 $0x6500;
	v11 =	vmul.f32 $8.000000000e+00, v9;
	v9 =	vand.u32 $0x78, v63;
	[tilespmem:v7+s21+$0x0] =	vst.idx.msk $0xffff, v62;
	v7 =	vand.u32 $0x6, v63  }
.LBB2_3:
0x2d: {  	s18 =	sadd.s32 $0x2, s18;
	v8 =	vmul.f32 $8.000000000e+00, v8;
	[tilespmem:v6+s21+$0x0] =	vst.idx.msk $0xffff, v10;
	v6 =	vadd.s32 v0, v9;
	v10 =	vadd.s32 v2, v9;
	s15 =	sadd.s32 $0x200, s15;
	s16 =	sadd.s32 $0x4, s16  }
0x2e: {  	v12 =	vor.u32 $0x1, v7;
	p1 =	slt.u32 s18, $0x3E;
	[tilespmem:v5+s21+$0x0] =	vst.idx.msk $0xffff, v11;
	v11 =	vor.u32 v7, v6;
	v5 =	vadd.s32 v1, v9  }
0x2f: {  	v13 =	vmov s16;
	v14 =	vor.u32 v12, v6;
	[tilespmem:v4+s21+$0x0] =	vst.idx.msk $0xffff, v8;
	v8 =	vor.u32 v7, v5  }
0x30: {  	v16 =	vor.u32 v7, v10;
	v6 =	vadd.s32 v3, v9;
	v4 =	vand.u32 $0x78, v13;
	v15 =	vld [tilespmem:s17+$0x20]  }
0x31: {  	v9 =	vand.u32 $0x4, v13;
	v7 =	vor.u32 v7, v6;
	v13 =	vadd.s32 v0, v4;
	v17 =	vld [tilespmem:s17+$0x0]  }
0x32: {  	v21 =	vor.u32 v12, v5;
	v19 =	vadd.s32 v1, v4;
	v18 =	vor.u32 v9, v13;
	v20 =	vld [tilespmem:s17+$0x10]  }
0x33: {  	v23 =	vor.u32 v12, v6;
	v5 =	vadd.s32 v2, v4;
	v4 =	vadd.s32 v3, v4;
	v22 =	vld [tilespmem:s17+$0x30]  }
0x34: {  	v10 =	vor.u32 v12, v10;
	v25 =	vor.u32 $0x1, v9;
	v24 =	vor.u32 v9, v4;
	v26 =	vld [tilespmem:s17+$0x80]  }
0x35: {  	v12 =	vor.u32 v9, v19;
	v9 =	vor.u32 v9, v5;
	v27 =	vld [tilespmem:s17+$0x90]  }
0x36: {  	v13 =	vor.u32 v25, v13;
	v6 =	vor.u32 v25, v19;
	v19 =	vld [tilespmem:s17+$0xA0];
	v17 =	vmul.f32 $8.000000000e+00, v17  }
0x37: {  	v5 =	vor.u32 v25, v5;
	v4 =	vor.u32 v25, v4;
	v25 =	vld [tilespmem:s17+$0xB0];
	v20 =	vmul.f32 $8.000000000e+00, v20;
	s17 =	smov.u32 s15  }
0x38: {  	v15 =	vmul.f32 $8.000000000e+00, v15;
	[tilespmem:v11+s21+$0x0] =	vst.idx.msk $0xffff, v17  }
0x39: {  	v11 =	vmul.f32 $8.000000000e+00, v22;
	[tilespmem:v8+s21+$0x0] =	vst.idx.msk $0xffff, v20  }
0x3a: {  	v8 =	vmul.f32 $8.000000000e+00, v26;
	[tilespmem:v16+s21+$0x0] =	vst.idx.msk $0xffff, v15  }
0x3b: {  	v15 =	vmul.f32 $8.000000000e+00, v27;
	[tilespmem:v7+s21+$0x0] =	vst.idx.msk $0xffff, v11  }
0x3c: {  	v7 =	vmul.f32 $8.000000000e+00, v19;
	[tilespmem:v14+s21+$0x0] =	vst.idx.msk $0xffff, v8  }
0x3d: {  	v8 =	vmul.f32 $8.000000000e+00, v25;
	[tilespmem:v21+s21+$0x0] =	vst.idx.msk $0xffff, v15  }
0x3e: {  	[tilespmem:v10+s21+$0x0] =	vst.idx.msk $0xffff, v7  }
0x3f: {  	[tilespmem:v23+s21+$0x0] =	vst.idx.msk $0xffff, v8  }
0x40: {  	v7 =	vld [tilespmem:s15+$0xFFFFFF10]  }
0x41: {  	v8 =	vld [tilespmem:s15+$0xFFFFFF00]  }
0x42: {  	v11 =	vld [tilespmem:s15+$0xFFFFFFA0]  }
0x43: {  	v10 =	vld [tilespmem:s15+$0xFFFFFF20]  }
0x44: {  	v14 =	vld [tilespmem:s15+$0xFFFFFF30]  }
0x45: {  	v15 =	vld [tilespmem:s15+$0xFFFFFF80]  }
0x46: {  	v16 =	vld [tilespmem:s15+$0xFFFFFF90];
	v17 =	vmul.f32 $8.000000000e+00, v8  }
0x47: {  	v7 =	vmul.f32 $8.000000000e+00, v7;
	v8 =	vld [tilespmem:s15+$0xFFFFFFB0]  }
.Ltmp0:
0x48: {  	v10 =	vmul.f32 $8.000000000e+00, v10;
	[tilespmem:v18+s21+$0x0] =	vst.idx.msk $0xffff, v17;
	(pc) =	sbr.rel @p1 .LBB2_3-.Ltmp0, $4  }
0x49: {  	v14 =	vmul.f32 $8.000000000e+00, v14;
	[tilespmem:v12+s21+$0x0] =	vst.idx.msk $0xffff, v7  }
0x4a: {  	s5 =	sadd.s32 $0x2, s16;
	v7 =	vmul.f32 $8.000000000e+00, v15;
	[tilespmem:v9+s21+$0x0] =	vst.idx.msk $0xffff, v10  }
0x4b: {  	v12 =	vmov s5;
	v10 =	vmul.f32 $8.000000000e+00, v16;
	[tilespmem:v24+s21+$0x0] =	vst.idx.msk $0xffff, v14  }
0x4c: {  	v11 =	vmul.f32 $8.000000000e+00, v11;
	v9 =	vand.u32 $0x78, v12;
	[tilespmem:v13+s21+$0x0] =	vst.idx.msk $0xffff, v7;
	v7 =	vand.u32 $0x6, v12  }
0x4d: {  	_ =	sdelay $0x3  }
0x4e: {  	v8 =	vmul.f32 $8.000000000e+00, v8;
	[tilespmem:v6+s21+$0x0] =	vst.idx.msk $0xffff, v10  }
0x4f: {  	[tilespmem:v5+s21+$0x0] =	vst.idx.msk $0xffff, v11  }
0x50: {  	[tilespmem:v4+s21+$0x0] =	vst.idx.msk $0xffff, v8  }
0x51: {  	v5 =	vld [tilespmem:s17+$0x0]  }
0x52: {  	v53 =	vadd.s32 v0, v9;
	v8 =	vld [tilespmem:s17+$0x10]  }
0x53: {  	v55 =	vadd.s32 v1, v9;
	v54 =	vor.u32 v7, v53;
	v4 =	vld [tilespmem:s17+$0x20]  }
0x54: {  	v13 =	vadd.s32 v2, v9;
	v14 =	vor.u32 v7, v55;
	v12 =	vld [tilespmem:s17+$0x30]  }
0x55: {  	v56 =	vadd.s32 v3, v9;
	v16 =	vor.u32 v7, v13;
	v15 =	vld [tilespmem:s17+$0x80]  }
0x56: {  	v18 =	vor.u32 $0x1, v7;
	v57 =	vor.u32 v7, v56;
	v17 =	vld [tilespmem:s17+$0x90];
	v5 =	vmul.f32 $8.000000000e+00, v5  }
0x57: {  	v6 =	vor.u32 v18, v53;
	v19 =	vld [tilespmem:s17+$0xA0];
	v8 =	vmul.f32 $8.000000000e+00, v8  }
0x58: {  	v20 =	vld [tilespmem:s17+$0xB0];
	v4 =	vmul.f32 $8.000000000e+00, v4;
	[tilespmem:v54+s21+$0x0] =	vst.idx.msk $0xffff, v5;
	v5 =	vor.u32 v18, v55  }
0x59: {  	v58 =	vor.u32 v18, v13;
	v59 =	vmul.f32 $8.000000000e+00, v12;
	[tilespmem:v14+s21+$0x0] =	vst.idx.msk $0xffff, v8  }
0x5a: {  	v60 =	vor.u32 v18, v56;
	v61 =	vmul.f32 $8.000000000e+00, v15;
	[tilespmem:v16+s21+$0x0] =	vst.idx.msk $0xffff, v4  }
0x5b: {  	v4 =	vmul.f32 $8.000000000e+00, v17;
	[tilespmem:v57+s21+$0x0] =	vst.idx.msk $0xffff, v59  }
0x5c: {  	v62 =	vmul.f32 $8.000000000e+00, v19;
	[tilespmem:v6+s21+$0x0] =	vst.idx.msk $0xffff, v61  }
0x5d: {  	p1 =	seq.s32 s12, $0x31;
	v63 =	vmul.f32 $8.000000000e+00, v20;
	[tilespmem:v5+s21+$0x0] =	vst.idx.msk $0xffff, v4  }
0x5e: {  	s14 =	sshrl.u32 @!p1 s14, $0x2;
	s15 =	simm.s32 @!p1 $0x80;
	[tilespmem:v58+s21+$0x0] =	vst.idx.msk $0xffff, v62  }
0x5f: {  	s16 =	simm.s32 @!p1 $0x6400;
	s5 =	sadd.s32 @!p1 $0x200, s14;
	s17 =	sshll.u32 s12, $0x11;
	[tilespmem:v60+s21+$0x0] =	vst.idx.msk $0xffff, v63  }
0x60: {  	[tilespmem:s16], [sflag:$0x1] =	stream.indirect.gather @!p1 [hbm4b:s4+s15], $0x80, s5, s15, $0xb8;
	[tilespmem:$0x1EC00] =	vst v63  }
0x61: {  	s15 =	sor.u32 s6, s17  }
0x62: {  	s18 =	simm.s32 $0x16400;
	s17 =	sadd.s32 s2, s15  }
0x63: {  	[hbm4b:s17+s3] =	stream.linear.scatter [tilespmem:s18], [sflag:$0x5], $0x80, $0x38;
	[tilespmem:$0x1EC00] =	vst v63  }
0x64: {  	s19 =	simm.s32 $0x16488;
	s10 =	sadd.s32 $0x10, s17  }
0x65: {  	[hbm4b:s10+s3] =	stream.linear.scatter [tilespmem:s19], [sflag:$0x5], $0x80, $0x38;
	[tilespmem:$0x1EC00] =	vst v63  }
0x66: {  	s16 =	simm.s32 $0x16510;
	s18 =	sadd.s32 $0x20, s17  }
0x67: {  	[hbm4b:s18+s3] =	stream.linear.scatter [tilespmem:s16], [sflag:$0x5], $0x80, $0x38;
	[tilespmem:$0x1EC00] =	vst v63  }
0x68: {  	s19 =	simm.s32 $0x16598;
	s10 =	sadd.s32 $0x30, s17  }
0x69: {  	[hbm4b:s10+s3] =	stream.linear.scatter [tilespmem:s19], [sflag:$0x5], $0x80, $0x38;
	[tilespmem:$0x1EC00] =	vst v63  }
0x6a: {  	s16 =	simm.s32 $0x16620;
	s18 =	sadd.s32 $0x40, s17  }
0x6b: {  	[hbm4b:s18+s3] =	stream.linear.scatter [tilespmem:s16], [sflag:$0x5], $0x80, $0x38;
	[tilespmem:$0x1EC00] =	vst v63  }
0x6c: {  	s5 =	sadd.s32 $0x70, s17;
	s19 =	simm.s32 $0x166A8;
	s10 =	sadd.s32 $0x50, s17  }
0x6d: {  	[hbm4b:s10+s3] =	stream.linear.scatter [tilespmem:s19], [sflag:$0x5], $0x80, $0x38;
	[tilespmem:$0x1EC00] =	vst v63  }
0x6e: {  	s18 =	simm.s32 $0x16730;
	s16 =	simm.s32 $0x440;
	s19 =	sadd.s32 $0x60, s17  }
0x6f: {  	[hbm4b:s19+s3] =	stream.linear.scatter [tilespmem:s18], [sflag:$0x5], $0x80, $0x38;
	[tilespmem:$0x1EC00] =	vst v63  }
0x70: {  	s17 =	sadd.s32 $0x1000, s17;
	s18 =	simm.s32 $0x2200;
	s19 =	simm.s32 $0x167B8  }
.LBB2_5:
0x71: {  	[hbm4b:s5+s3] =	stream.linear.scatter [tilespmem:s19], [sflag:$0x5], $0x80, $0x38;
	[tilespmem:$0x1EC00] =	vst v63  }
0x72: {  	s5 =	smov.u32 s16;
	s16 =	smov.u32 s18  }
0x73: {  	s10 =	sadd.s32 $0x1100, s18;
	s16 =	sshra.s32 s16, $0x2;
	s19 =	sadd.s32 $0x16400, s5  }
0x74: {  	[hbm4b:s17+s3] =	stream.linear.scatter [tilespmem:s19], [sflag:$0x5], $0x80, $0x38;
	[tilespmem:$0x1EC00] =	vst v63  }
0x75: {  	p2 =	sne.s32 s18, $0x7700;
	s18 =	sadd.s32 $0x16488, s5;
	s19 =	sadd.s32 $0x10, s17  }
0x76: {  	[hbm4b:s19+s3] =	stream.linear.scatter [tilespmem:s18], [sflag:$0x5], $0x80, $0x38;
	[tilespmem:$0x1EC00] =	vst v63  }
0x77: {  	s18 =	sadd.s32 $0x16510, s5;
	s19 =	sadd.s32 $0x20, s17  }
0x78: {  	[hbm4b:s19+s3] =	stream.linear.scatter [tilespmem:s18], [sflag:$0x5], $0x80, $0x38;
	[tilespmem:$0x1EC00] =	vst v63  }
0x79: {  	s18 =	sadd.s32 $0x16598, s5;
	s19 =	sadd.s32 $0x30, s17  }
0x7a: {  	[hbm4b:s19+s3] =	stream.linear.scatter [tilespmem:s18], [sflag:$0x5], $0x80, $0x38;
	[tilespmem:$0x1EC00] =	vst v63  }
0x7b: {  	s18 =	sadd.s32 $0x16620, s5;
	s19 =	sadd.s32 $0x40, s17  }
0x7c: {  	[hbm4b:s19+s3] =	stream.linear.scatter [tilespmem:s18], [sflag:$0x5], $0x80, $0x38;
	[tilespmem:$0x1EC00] =	vst v63  }
0x7d: {  	s18 =	sadd.s32 $0x166A8, s5;
	s19 =	sadd.s32 $0x50, s17  }
0x7e: {  	[hbm4b:s19+s3] =	stream.linear.scatter [tilespmem:s18], [sflag:$0x5], $0x80, $0x38;
	[tilespmem:$0x1EC00] =	vst v63  }
.Ltmp1:
0x7f: {  	_ = 	snop;
	(pc) =	sbr.rel @p2 .LBB2_5-.Ltmp1, $4  }
0x80: {  	s18 =	sadd.s32 $0x16730, s5;
	s19 =	sadd.s32 $0x60, s17  }
0x81: {  	[hbm4b:s19+s3] =	stream.linear.scatter [tilespmem:s18], [sflag:$0x5], $0x80, $0x38;
	[tilespmem:$0x1EC00] =	vst v63  }
0x82: {  	s19 =	sadd.s32 $0x167B8, s5  }
0x83: {  	s5 =	sadd.s32 $0x70, s17;
	s17 =	sadd.s32 $0x1000, s17;
	s18 =	smov.u32 s10  }
0x84: {  	[hbm4b:s5+s3] =	stream.linear.scatter [tilespmem:s19], [sflag:$0x5], $0x80, $0x38;
	[tilespmem:$0x1EC00] =	vst v63  }
0x85: {  	s18 =	sadd.s32 $0x16400, s16  }
0x86: {  	[hbm4b:s17+s3] =	stream.linear.scatter [tilespmem:s18], [sflag:$0x5], $0x80, $0x38;
	[tilespmem:$0x1EC00] =	vst v63  }
0x87: {  	s19 =	sadd.s32 $0x16488, s16;
	s10 =	sadd.s32 $0x10, s17  }
0x88: {  	[hbm4b:s10+s3] =	stream.linear.scatter [tilespmem:s19], [sflag:$0x5], $0x80, $0x38;
	[tilespmem:$0x1EC00] =	vst v63  }
0x89: {  	s18 =	sadd.s32 $0x16510, s16;
	s19 =	sadd.s32 $0x20, s17  }
0x8a: {  	[hbm4b:s19+s3] =	stream.linear.scatter [tilespmem:s18], [sflag:$0x5], $0x80, $0x38;
	[tilespmem:$0x1EC00] =	vst v63  }
0x8b: {  	s18 =	sadd.s32 $0x16598, s16;
	s19 =	sadd.s32 $0x30, s17  }
0x8c: {  	[hbm4b:s19+s3] =	stream.linear.scatter [tilespmem:s18], [sflag:$0x5], $0x80, $0x38;
	[tilespmem:$0x1EC00] =	vst v63  }
0x8d: {  	s18 =	sadd.s32 $0x16620, s16;
	s19 =	sadd.s32 $0x40, s17  }
0x8e: {  	[hbm4b:s19+s3] =	stream.linear.scatter [tilespmem:s18], [sflag:$0x5], $0x80, $0x38;
	[tilespmem:$0x1EC00] =	vst v63  }
0x8f: {  	s18 =	sadd.s32 $0x166A8, s16;
	s19 =	sadd.s32 $0x50, s17  }
0x90: {  	[hbm4b:s19+s3] =	stream.linear.scatter [tilespmem:s18], [sflag:$0x5], $0x80, $0x38;
	[tilespmem:$0x1EC00] =	vst v63  }
0x91: {  	s18 =	sadd.s32 $0x16730, s16;
	s19 =	sadd.s32 $0x60, s17  }
0x92: {  	[hbm4b:s19+s3] =	stream.linear.scatter [tilespmem:s18], [sflag:$0x5], $0x80, $0x38;
	[tilespmem:$0x1EC00] =	vst v63  }
0x93: {  	s16 =	sadd.s32 $0x167B8, s16;
	s18 =	sadd.s32 $0x70, s17  }
0x94: {  	[hbm4b:s18+s3] =	stream.linear.scatter [tilespmem:s16], [sflag:$0x5], $0x80, $0x38;
	[tilespmem:$0x1EC00] =	vst v63  }
0x95: {  	_ =	swait.ge [sflag:s22], $0x4000  }
0x96: {  	[sflag:s22] =	ssyncset.done $0x0  }
0x97: {  	s5 =	simm.s32 @!p0 $0x6;
	[sflag:s22] =	ssyncadd.s32 $0xFFFFC000  }
0x98: {  	_ =	swait.ge @!p0 [sflag:s5], $0x2000  }
0x99: {  	s17 =	simm.s32 $0x0;
	[sflag:s5] =	ssyncset.done @!p0 $0x0  }
0x9a: {  	v4 =	vmov s17;
	s16 =	simm.s32 $0xA500;
	[sflag:s5] =	ssyncadd.s32 @!p0 $0xFFFFE000  }
0x9b: {  	v6 =	vand.u32 $0x78, v4;
	v7 =	vld [tilespmem:s16+$0xFFFFFF00]  }
0x9c: {  	v4 =	vand.u32 $0x4, v4;
	v8 =	vadd.s32 v0, v6;
	v5 =	vld [tilespmem:s16+$0xFFFFFF10]  }
0x9d: {  	v11 =	vadd.s32 v1, v6;
	v10 =	vor.u32 v4, v8;
	v12 =	vld [tilespmem:s16+$0xFFFFFF20]  }
0x9e: {  	v13 =	vadd.s32 v2, v6;
	v14 =	vor.u32 v4, v11;
	v15 =	vld [tilespmem:s16+$0xFFFFFF30]  }
0x9f: {  	v16 =	vadd.s32 v3, v6;
	v17 =	vor.u32 v4, v13;
	v18 =	vld [tilespmem:s16+$0xFFFFFF80]  }
0xa0: {  	v19 =	vor.u32 v4, v16;
	v4 =	vor.u32 $0x1, v4;
	v20 =	vld [tilespmem:s16+$0xFFFFFF90];
	v6 =	vmul.f32 $8.000000000e+00, v7  }
0xa1: {  	v9 =	vld [tilespmem:s16+$0xFFFFFFA0];
	v7 =	vor.u32 v4, v8;
	v5 =	vmul.f32 $8.000000000e+00, v5  }
0xa2: {  	v8 =	vld [tilespmem:s16+$0xFFFFFFB0];
	[tilespmem:v10+s23+$0x0] =	vst.idx.msk $0xffff, v6;
	v10 =	vmul.f32 $8.000000000e+00, v12;
	v6 =	vor.u32 v4, v11  }
0xa3: {  	v61 =	vmul.f32 $8.000000000e+00, v15;
	[tilespmem:v14+s23+$0x0] =	vst.idx.msk $0xffff, v5;
	v5 =	vor.u32 v4, v13  }
0xa4: {  	s19 =	simm.s32 $0x2;
	v62 =	vmul.f32 $8.000000000e+00, v18;
	v4 =	vor.u32 v4, v16;
	[tilespmem:v17+s23+$0x0] =	vst.idx.msk $0xffff, v10  }
0xa5: {  	v63 =	vmov s19;
	v10 =	vmul.f32 $8.000000000e+00, v20;
	[tilespmem:v19+s23+$0x0] =	vst.idx.msk $0xffff, v61  }
0xa6: {  	s19 =	simm.s32 $0x0;
	s18 =	simm.s32 $0xA500;
	v11 =	vmul.f32 $8.000000000e+00, v9;
	v9 =	vand.u32 $0x78, v63;
	[tilespmem:v7+s23+$0x0] =	vst.idx.msk $0xffff, v62;
	v7 =	vand.u32 $0x6, v63  }
.LBB2_7:
0xa7: {  	s19 =	sadd.s32 $0x2, s19;
	v8 =	vmul.f32 $8.000000000e+00, v8;
	[tilespmem:v6+s23+$0x0] =	vst.idx.msk $0xffff, v10;
	v6 =	vadd.s32 v0, v9;
	v10 =	vadd.s32 v2, v9;
	s16 =	sadd.s32 $0x200, s16;
	s17 =	sadd.s32 $0x4, s17  }
0xa8: {  	v12 =	vor.u32 $0x1, v7;
	p2 =	slt.u32 s19, $0x3E;
	[tilespmem:v5+s23+$0x0] =	vst.idx.msk $0xffff, v11;
	v11 =	vor.u32 v7, v6;
	v5 =	vadd.s32 v1, v9  }
0xa9: {  	v13 =	vmov s17;
	v14 =	vor.u32 v12, v6;
	[tilespmem:v4+s23+$0x0] =	vst.idx.msk $0xffff, v8;
	v8 =	vor.u32 v7, v5  }
0xaa: {  	v16 =	vor.u32 v7, v10;
	v6 =	vadd.s32 v3, v9;
	v4 =	vand.u32 $0x78, v13;
	v15 =	vld [tilespmem:s18+$0x20]  }
0xab: {  	v9 =	vand.u32 $0x4, v13;
	v7 =	vor.u32 v7, v6;
	v13 =	vadd.s32 v0, v4;
	v17 =	vld [tilespmem:s18+$0x0]  }
0xac: {  	v21 =	vor.u32 v12, v5;
	v19 =	vadd.s32 v1, v4;
	v18 =	vor.u32 v9, v13;
	v20 =	vld [tilespmem:s18+$0x10]  }
0xad: {  	v23 =	vor.u32 v12, v6;
	v5 =	vadd.s32 v2, v4;
	v4 =	vadd.s32 v3, v4;
	v22 =	vld [tilespmem:s18+$0x30]  }
0xae: {  	v10 =	vor.u32 v12, v10;
	v25 =	vor.u32 $0x1, v9;
	v24 =	vor.u32 v9, v4;
	v26 =	vld [tilespmem:s18+$0x80]  }
0xaf: {  	v12 =	vor.u32 v9, v19;
	v9 =	vor.u32 v9, v5;
	v27 =	vld [tilespmem:s18+$0x90]  }
0xb0: {  	v13 =	vor.u32 v25, v13;
	v6 =	vor.u32 v25, v19;
	v19 =	vld [tilespmem:s18+$0xA0];
	v17 =	vmul.f32 $8.000000000e+00, v17  }
0xb1: {  	v5 =	vor.u32 v25, v5;
	v4 =	vor.u32 v25, v4;
	v25 =	vld [tilespmem:s18+$0xB0];
	v20 =	vmul.f32 $8.000000000e+00, v20;
	s18 =	smov.u32 s16  }
0xb2: {  	v15 =	vmul.f32 $8.000000000e+00, v15;
	[tilespmem:v11+s23+$0x0] =	vst.idx.msk $0xffff, v17  }
0xb3: {  	v11 =	vmul.f32 $8.000000000e+00, v22;
	[tilespmem:v8+s23+$0x0] =	vst.idx.msk $0xffff, v20  }
0xb4: {  	v8 =	vmul.f32 $8.000000000e+00, v26;
	[tilespmem:v16+s23+$0x0] =	vst.idx.msk $0xffff, v15  }
0xb5: {  	v15 =	vmul.f32 $8.000000000e+00, v27;
	[tilespmem:v7+s23+$0x0] =	vst.idx.msk $0xffff, v11  }
0xb6: {  	v7 =	vmul.f32 $8.000000000e+00, v19;
	[tilespmem:v14+s23+$0x0] =	vst.idx.msk $0xffff, v8  }
0xb7: {  	v8 =	vmul.f32 $8.000000000e+00, v25;
	[tilespmem:v21+s23+$0x0] =	vst.idx.msk $0xffff, v15  }
0xb8: {  	[tilespmem:v10+s23+$0x0] =	vst.idx.msk $0xffff, v7  }
0xb9: {  	[tilespmem:v23+s23+$0x0] =	vst.idx.msk $0xffff, v8  }
0xba: {  	v7 =	vld [tilespmem:s16+$0xFFFFFF10]  }
0xbb: {  	v8 =	vld [tilespmem:s16+$0xFFFFFF00]  }
0xbc: {  	v11 =	vld [tilespmem:s16+$0xFFFFFFA0]  }
0xbd: {  	v10 =	vld [tilespmem:s16+$0xFFFFFF20]  }
0xbe: {  	v14 =	vld [tilespmem:s16+$0xFFFFFF30]  }
0xbf: {  	v15 =	vld [tilespmem:s16+$0xFFFFFF80]  }
0xc0: {  	v16 =	vld [tilespmem:s16+$0xFFFFFF90];
	v17 =	vmul.f32 $8.000000000e+00, v8  }
0xc1: {  	v7 =	vmul.f32 $8.000000000e+00, v7;
	v8 =	vld [tilespmem:s16+$0xFFFFFFB0]  }
.Ltmp2:
0xc2: {  	v10 =	vmul.f32 $8.000000000e+00, v10;
	[tilespmem:v18+s23+$0x0] =	vst.idx.msk $0xffff, v17;
	(pc) =	sbr.rel @p2 .LBB2_7-.Ltmp2, $4  }
0xc3: {  	v14 =	vmul.f32 $8.000000000e+00, v14;
	[tilespmem:v12+s23+$0x0] =	vst.idx.msk $0xffff, v7  }
0xc4: {  	s5 =	sadd.s32 $0x2, s17;
	v7 =	vmul.f32 $8.000000000e+00, v15;
	[tilespmem:v9+s23+$0x0] =	vst.idx.msk $0xffff, v10  }
0xc5: {  	v12 =	vmov s5;
	v10 =	vmul.f32 $8.000000000e+00, v16;
	[tilespmem:v24+s23+$0x0] =	vst.idx.msk $0xffff, v14  }
0xc6: {  	v11 =	vmul.f32 $8.000000000e+00, v11;
	v9 =	vand.u32 $0x78, v12;
	[tilespmem:v13+s23+$0x0] =	vst.idx.msk $0xffff, v7;
	v7 =	vand.u32 $0x6, v12  }
0xc7: {  	_ =	sdelay $0x3  }
0xc8: {  	v8 =	vmul.f32 $8.000000000e+00, v8;
	[tilespmem:v6+s23+$0x0] =	vst.idx.msk $0xffff, v10  }
0xc9: {  	[tilespmem:v5+s23+$0x0] =	vst.idx.msk $0xffff, v11  }
0xca: {  	[tilespmem:v4+s23+$0x0] =	vst.idx.msk $0xffff, v8  }
0xcb: {  	v5 =	vld [tilespmem:s18+$0x0]  }
0xcc: {  	v53 =	vadd.s32 v0, v9;
	v8 =	vld [tilespmem:s18+$0x10]  }
0xcd: {  	v55 =	vadd.s32 v1, v9;
	v54 =	vor.u32 v7, v53;
	v4 =	vld [tilespmem:s18+$0x20]  }
0xce: {  	v13 =	vadd.s32 v2, v9;
	v14 =	vor.u32 v7, v55;
	v12 =	vld [tilespmem:s18+$0x30]  }
0xcf: {  	v56 =	vadd.s32 v3, v9;
	v16 =	vor.u32 v7, v13;
	v15 =	vld [tilespmem:s18+$0x80]  }
0xd0: {  	v18 =	vor.u32 $0x1, v7;
	v57 =	vor.u32 v7, v56;
	v17 =	vld [tilespmem:s18+$0x90];
	v5 =	vmul.f32 $8.000000000e+00, v5  }
0xd1: {  	v6 =	vor.u32 v18, v53;
	v19 =	vld [tilespmem:s18+$0xA0];
	v8 =	vmul.f32 $8.000000000e+00, v8  }
0xd2: {  	v20 =	vld [tilespmem:s18+$0xB0];
	v4 =	vmul.f32 $8.000000000e+00, v4;
	[tilespmem:v54+s23+$0x0] =	vst.idx.msk $0xffff, v5;
	v5 =	vor.u32 v18, v55  }
0xd3: {  	v58 =	vor.u32 v18, v13;
	v59 =	vmul.f32 $8.000000000e+00, v12;
	[tilespmem:v14+s23+$0x0] =	vst.idx.msk $0xffff, v8  }
0xd4: {  	v60 =	vor.u32 v18, v56;
	v61 =	vmul.f32 $8.000000000e+00, v15;
	[tilespmem:v16+s23+$0x0] =	vst.idx.msk $0xffff, v4  }
0xd5: {  	v4 =	vmul.f32 $8.000000000e+00, v17;
	[tilespmem:v57+s23+$0x0] =	vst.idx.msk $0xffff, v59  }
0xd6: {  	v62 =	vmul.f32 $8.000000000e+00, v19;
	[tilespmem:v6+s23+$0x0] =	vst.idx.msk $0xffff, v61  }
0xd7: {  	v63 =	vmul.f32 $8.000000000e+00, v20;
	[tilespmem:v5+s23+$0x0] =	vst.idx.msk $0xffff, v4  }
0xd8: {  	[tilespmem:v58+s23+$0x0] =	vst.idx.msk $0xffff, v62  }
0xd9: {  	s5 =	sadd.s32 @!p1 $0x280, s14;
	s10 =	simm.s32 @!p1 $0x80;
	s16 =	simm.s32 @!p1 $0xA400;
	[tilespmem:v60+s23+$0x0] =	vst.idx.msk $0xffff, v63  }
0xda: {  	[tilespmem:s16], [sflag:$0x2] =	stream.indirect.gather @!p1 [hbm4b:s4+s10], $0x80, s5, s10, $0xb8;
	[tilespmem:$0x1EC00] =	vst v63  }
0xdb: {  	s19 =	simm.s32 $0x18600;
	s10 =	sadd.s32 s15, s7  }
0xdc: {  	[hbm4b:s10+s3] =	stream.linear.scatter [tilespmem:s19], [sflag:$0x6], $0x80, $0x38;
	[tilespmem:$0x1EC00] =	vst v63  }
0xdd: {  	s16 =	simm.s32 $0x18688;
	s17 =	sadd.s32 $0x10, s10  }
0xde: {  	[hbm4b:s17+s3] =	stream.linear.scatter [tilespmem:s16], [sflag:$0x6], $0x80, $0x38;
	[tilespmem:$0x1EC00] =	vst v63  }
0xdf: {  	s18 =	simm.s32 $0x18710;
	s19 =	sadd.s32 $0x20, s10  }
0xe0: {  	[hbm4b:s19+s3] =	stream.linear.scatter [tilespmem:s18], [sflag:$0x6], $0x80, $0x38;
	[tilespmem:$0x1EC00] =	vst v63  }
0xe1: {  	s16 =	simm.s32 $0x18798;
	s17 =	sadd.s32 $0x30, s10  }
0xe2: {  	[hbm4b:s17+s3] =	stream.linear.scatter [tilespmem:s16], [sflag:$0x6], $0x80, $0x38;
	[tilespmem:$0x1EC00] =	vst v63  }
0xe3: {  	s18 =	simm.s32 $0x18820;
	s19 =	sadd.s32 $0x40, s10  }
0xe4: {  	[hbm4b:s19+s3] =	stream.linear.scatter [tilespmem:s18], [sflag:$0x6], $0x80, $0x38;
	[tilespmem:$0x1EC00] =	vst v63  }
0xe5: {  	s5 =	sadd.s32 $0x70, s10;
	s16 =	simm.s32 $0x188A8;
	s17 =	sadd.s32 $0x50, s10  }
0xe6: {  	[hbm4b:s17+s3] =	stream.linear.scatter [tilespmem:s16], [sflag:$0x6], $0x80, $0x38;
	[tilespmem:$0x1EC00] =	vst v63  }
0xe7: {  	s18 =	simm.s32 $0x18930;
	s19 =	sadd.s32 $0x60, s10;
	s16 =	simm.s32 $0x440  }
0xe8: {  	[hbm4b:s19+s3] =	stream.linear.scatter [tilespmem:s18], [sflag:$0x6], $0x80, $0x38;
	[tilespmem:$0x1EC00] =	vst v63  }
0xe9: {  	s17 =	sadd.s32 $0x1000, s10;
	s18 =	simm.s32 $0x2200;
	s19 =	simm.s32 $0x189B8  }
.LBB2_9:
0xea: {  	[hbm4b:s5+s3] =	stream.linear.scatter [tilespmem:s19], [sflag:$0x6], $0x80, $0x38;
	[tilespmem:$0x1EC00] =	vst v63  }
0xeb: {  	s5 =	smov.u32 s16;
	s10 =	smov.u32 s18  }
0xec: {  	s16 =	sshra.s32 s10, $0x2;
	s10 =	sadd.s32 $0x1100, s18;
	s19 =	sadd.s32 $0x18600, s5  }
0xed: {  	[hbm4b:s17+s3] =	stream.linear.scatter [tilespmem:s19], [sflag:$0x6], $0x80, $0x38;
	[tilespmem:$0x1EC00] =	vst v63  }
0xee: {  	p2 =	sne.s32 s18, $0x7700;
	s18 =	sadd.s32 $0x18688, s5;
	s19 =	sadd.s32 $0x10, s17  }
0xef: {  	[hbm4b:s19+s3] =	stream.linear.scatter [tilespmem:s18], [sflag:$0x6], $0x80, $0x38;
	[tilespmem:$0x1EC00] =	vst v63  }
0xf0: {  	s18 =	sadd.s32 $0x18710, s5;
	s19 =	sadd.s32 $0x20, s17  }
0xf1: {  	[hbm4b:s19+s3] =	stream.linear.scatter [tilespmem:s18], [sflag:$0x6], $0x80, $0x38;
	[tilespmem:$0x1EC00] =	vst v63  }
0xf2: {  	s18 =	sadd.s32 $0x18798, s5;
	s19 =	sadd.s32 $0x30, s17  }
0xf3: {  	[hbm4b:s19+s3] =	stream.linear.scatter [tilespmem:s18], [sflag:$0x6], $0x80, $0x38;
	[tilespmem:$0x1EC00] =	vst v63  }
0xf4: {  	s18 =	sadd.s32 $0x18820, s5;
	s19 =	sadd.s32 $0x40, s17  }
0xf5: {  	[hbm4b:s19+s3] =	stream.linear.scatter [tilespmem:s18], [sflag:$0x6], $0x80, $0x38;
	[tilespmem:$0x1EC00] =	vst v63  }
0xf6: {  	s18 =	sadd.s32 $0x188A8, s5;
	s19 =	sadd.s32 $0x50, s17  }
0xf7: {  	[hbm4b:s19+s3] =	stream.linear.scatter [tilespmem:s18], [sflag:$0x6], $0x80, $0x38;
	[tilespmem:$0x1EC00] =	vst v63  }
.Ltmp3:
0xf8: {  	_ = 	snop;
	(pc) =	sbr.rel @p2 .LBB2_9-.Ltmp3, $4  }
0xf9: {  	s18 =	sadd.s32 $0x18930, s5;
	s19 =	sadd.s32 $0x60, s17  }
0xfa: {  	[hbm4b:s19+s3] =	stream.linear.scatter [tilespmem:s18], [sflag:$0x6], $0x80, $0x38;
	[tilespmem:$0x1EC00] =	vst v63  }
0xfb: {  	s19 =	sadd.s32 $0x189B8, s5  }
0xfc: {  	s5 =	sadd.s32 $0x70, s17;
	s17 =	sadd.s32 $0x1000, s17;
	s18 =	smov.u32 s10  }
0xfd: {  	[hbm4b:s5+s3] =	stream.linear.scatter [tilespmem:s19], [sflag:$0x6], $0x80, $0x38;
	[tilespmem:$0x1EC00] =	vst v63  }
0xfe: {  	s18 =	sadd.s32 $0x18600, s16  }
0xff: {  	[hbm4b:s17+s3] =	stream.linear.scatter [tilespmem:s18], [sflag:$0x6], $0x80, $0x38;
	[tilespmem:$0x1EC00] =	vst v63  }
0x100: {  	s19 =	sadd.s32 $0x18688, s16;
	s10 =	sadd.s32 $0x10, s17  }
0x101: {  	[hbm4b:s10+s3] =	stream.linear.scatter [tilespmem:s19], [sflag:$0x6], $0x80, $0x38;
	[tilespmem:$0x1EC00] =	vst v63  }
0x102: {  	s18 =	sadd.s32 $0x18710, s16;
	s19 =	sadd.s32 $0x20, s17  }
0x103: {  	[hbm4b:s19+s3] =	stream.linear.scatter [tilespmem:s18], [sflag:$0x6], $0x80, $0x38;
	[tilespmem:$0x1EC00] =	vst v63  }
0x104: {  	s18 =	sadd.s32 $0x18798, s16;
	s19 =	sadd.s32 $0x30, s17  }
0x105: {  	[hbm4b:s19+s3] =	stream.linear.scatter [tilespmem:s18], [sflag:$0x6], $0x80, $0x38;
	[tilespmem:$0x1EC00] =	vst v63  }
0x106: {  	s18 =	sadd.s32 $0x18820, s16;
	s19 =	sadd.s32 $0x40, s17  }
0x107: {  	[hbm4b:s19+s3] =	stream.linear.scatter [tilespmem:s18], [sflag:$0x6], $0x80, $0x38;
	[tilespmem:$0x1EC00] =	vst v63  }
0x108: {  	s18 =	sadd.s32 $0x188A8, s16;
	s19 =	sadd.s32 $0x50, s17  }
0x109: {  	[hbm4b:s19+s3] =	stream.linear.scatter [tilespmem:s18], [sflag:$0x6], $0x80, $0x38;
	[tilespmem:$0x1EC00] =	vst v63  }
0x10a: {  	s18 =	sadd.s32 $0x18930, s16;
	s19 =	sadd.s32 $0x60, s17  }
0x10b: {  	[hbm4b:s19+s3] =	stream.linear.scatter [tilespmem:s18], [sflag:$0x6], $0x80, $0x38;
	[tilespmem:$0x1EC00] =	vst v63  }
0x10c: {  	s16 =	sadd.s32 $0x189B8, s16;
	s18 =	sadd.s32 $0x70, s17  }
0x10d: {  	[hbm4b:s18+s3] =	stream.linear.scatter [tilespmem:s16], [sflag:$0x6], $0x80, $0x38;
	[tilespmem:$0x1EC00] =	vst v63  }
0x10e: {  	_ =	swait.ge [sflag:s24], $0x4000  }
0x10f: {  	[sflag:s24] =	ssyncset.done $0x0  }
0x110: {  	s5 =	simm.s32 @!p0 $0x7;
	[sflag:s24] =	ssyncadd.s32 $0xFFFFC000  }
0x111: {  	_ =	swait.ge @!p0 [sflag:s5], $0x2000  }
0x112: {  	s17 =	simm.s32 $0x0;
	[sflag:s5] =	ssyncset.done @!p0 $0x0  }
0x113: {  	v4 =	vmov s17;
	s16 =	simm.s32 $0xE500;
	[sflag:s5] =	ssyncadd.s32 @!p0 $0xFFFFE000  }
0x114: {  	v6 =	vand.u32 $0x78, v4;
	v7 =	vld [tilespmem:s16+$0xFFFFFF00]  }
0x115: {  	v4 =	vand.u32 $0x4, v4;
	v8 =	vadd.s32 v0, v6;
	v5 =	vld [tilespmem:s16+$0xFFFFFF10]  }
0x116: {  	v11 =	vadd.s32 v1, v6;
	v10 =	vor.u32 v4, v8;
	v12 =	vld [tilespmem:s16+$0xFFFFFF20]  }
0x117: {  	v13 =	vadd.s32 v2, v6;
	v14 =	vor.u32 v4, v11;
	v15 =	vld [tilespmem:s16+$0xFFFFFF30]  }
0x118: {  	v16 =	vadd.s32 v3, v6;
	v17 =	vor.u32 v4, v13;
	v18 =	vld [tilespmem:s16+$0xFFFFFF80]  }
0x119: {  	v19 =	vor.u32 v4, v16;
	v4 =	vor.u32 $0x1, v4;
	v20 =	vld [tilespmem:s16+$0xFFFFFF90];
	v6 =	vmul.f32 $8.000000000e+00, v7  }
0x11a: {  	v9 =	vld [tilespmem:s16+$0xFFFFFFA0];
	v7 =	vor.u32 v4, v8;
	v5 =	vmul.f32 $8.000000000e+00, v5  }
0x11b: {  	v8 =	vld [tilespmem:s16+$0xFFFFFFB0];
	[tilespmem:v10+s25+$0x0] =	vst.idx.msk $0xffff, v6;
	v10 =	vmul.f32 $8.000000000e+00, v12;
	v6 =	vor.u32 v4, v11  }
0x11c: {  	v61 =	vmul.f32 $8.000000000e+00, v15;
	[tilespmem:v14+s25+$0x0] =	vst.idx.msk $0xffff, v5;
	v5 =	vor.u32 v4, v13  }
0x11d: {  	s19 =	simm.s32 $0x2;
	v62 =	vmul.f32 $8.000000000e+00, v18;
	v4 =	vor.u32 v4, v16;
	[tilespmem:v17+s25+$0x0] =	vst.idx.msk $0xffff, v10  }
0x11e: {  	v63 =	vmov s19;
	v10 =	vmul.f32 $8.000000000e+00, v20;
	[tilespmem:v19+s25+$0x0] =	vst.idx.msk $0xffff, v61  }
0x11f: {  	s19 =	simm.s32 $0x0;
	s18 =	simm.s32 $0xE500;
	v11 =	vmul.f32 $8.000000000e+00, v9;
	v9 =	vand.u32 $0x78, v63;
	[tilespmem:v7+s25+$0x0] =	vst.idx.msk $0xffff, v62;
	v7 =	vand.u32 $0x6, v63  }
.LBB2_11:
0x120: {  	s19 =	sadd.s32 $0x2, s19;
	v8 =	vmul.f32 $8.000000000e+00, v8;
	[tilespmem:v6+s25+$0x0] =	vst.idx.msk $0xffff, v10;
	v6 =	vadd.s32 v0, v9;
	v10 =	vadd.s32 v2, v9;
	s16 =	sadd.s32 $0x200, s16;
	s17 =	sadd.s32 $0x4, s17  }
0x121: {  	v12 =	vor.u32 $0x1, v7;
	p2 =	slt.u32 s19, $0x3E;
	[tilespmem:v5+s25+$0x0] =	vst.idx.msk $0xffff, v11;
	v11 =	vor.u32 v7, v6;
	v5 =	vadd.s32 v1, v9  }
0x122: {  	v13 =	vmov s17;
	v14 =	vor.u32 v12, v6;
	[tilespmem:v4+s25+$0x0] =	vst.idx.msk $0xffff, v8;
	v8 =	vor.u32 v7, v5  }
0x123: {  	v16 =	vor.u32 v7, v10;
	v6 =	vadd.s32 v3, v9;
	v4 =	vand.u32 $0x78, v13;
	v15 =	vld [tilespmem:s18+$0x20]  }
0x124: {  	v9 =	vand.u32 $0x4, v13;
	v7 =	vor.u32 v7, v6;
	v13 =	vadd.s32 v0, v4;
	v17 =	vld [tilespmem:s18+$0x0]  }
0x125: {  	v21 =	vor.u32 v12, v5;
	v19 =	vadd.s32 v1, v4;
	v18 =	vor.u32 v9, v13;
	v20 =	vld [tilespmem:s18+$0x10]  }
0x126: {  	v23 =	vor.u32 v12, v6;
	v5 =	vadd.s32 v2, v4;
	v4 =	vadd.s32 v3, v4;
	v22 =	vld [tilespmem:s18+$0x30]  }
0x127: {  	v10 =	vor.u32 v12, v10;
	v25 =	vor.u32 $0x1, v9;
	v24 =	vor.u32 v9, v4;
	v26 =	vld [tilespmem:s18+$0x80]  }
0x128: {  	v12 =	vor.u32 v9, v19;
	v9 =	vor.u32 v9, v5;
	v27 =	vld [tilespmem:s18+$0x90]  }
0x129: {  	v13 =	vor.u32 v25, v13;
	v6 =	vor.u32 v25, v19;
	v19 =	vld [tilespmem:s18+$0xA0];
	v17 =	vmul.f32 $8.000000000e+00, v17  }
0x12a: {  	v5 =	vor.u32 v25, v5;
	v4 =	vor.u32 v25, v4;
	v25 =	vld [tilespmem:s18+$0xB0];
	v20 =	vmul.f32 $8.000000000e+00, v20;
	s18 =	smov.u32 s16  }
0x12b: {  	v15 =	vmul.f32 $8.000000000e+00, v15;
	[tilespmem:v11+s25+$0x0] =	vst.idx.msk $0xffff, v17  }
0x12c: {  	v11 =	vmul.f32 $8.000000000e+00, v22;
	[tilespmem:v8+s25+$0x0] =	vst.idx.msk $0xffff, v20  }
0x12d: {  	v8 =	vmul.f32 $8.000000000e+00, v26;
	[tilespmem:v16+s25+$0x0] =	vst.idx.msk $0xffff, v15  }
0x12e: {  	v15 =	vmul.f32 $8.000000000e+00, v27;
	[tilespmem:v7+s25+$0x0] =	vst.idx.msk $0xffff, v11  }
0x12f: {  	v7 =	vmul.f32 $8.000000000e+00, v19;
	[tilespmem:v14+s25+$0x0] =	vst.idx.msk $0xffff, v8  }
0x130: {  	v8 =	vmul.f32 $8.000000000e+00, v25;
	[tilespmem:v21+s25+$0x0] =	vst.idx.msk $0xffff, v15  }
0x131: {  	[tilespmem:v10+s25+$0x0] =	vst.idx.msk $0xffff, v7  }
0x132: {  	[tilespmem:v23+s25+$0x0] =	vst.idx.msk $0xffff, v8  }
0x133: {  	v7 =	vld [tilespmem:s16+$0xFFFFFF10]  }
0x134: {  	v8 =	vld [tilespmem:s16+$0xFFFFFF00]  }
0x135: {  	v11 =	vld [tilespmem:s16+$0xFFFFFFA0]  }
0x136: {  	v10 =	vld [tilespmem:s16+$0xFFFFFF20]  }
0x137: {  	v14 =	vld [tilespmem:s16+$0xFFFFFF30]  }
0x138: {  	v15 =	vld [tilespmem:s16+$0xFFFFFF80]  }
0x139: {  	v16 =	vld [tilespmem:s16+$0xFFFFFF90];
	v17 =	vmul.f32 $8.000000000e+00, v8  }
0x13a: {  	v7 =	vmul.f32 $8.000000000e+00, v7;
	v8 =	vld [tilespmem:s16+$0xFFFFFFB0]  }
.Ltmp4:
0x13b: {  	v10 =	vmul.f32 $8.000000000e+00, v10;
	[tilespmem:v18+s25+$0x0] =	vst.idx.msk $0xffff, v17;
	(pc) =	sbr.rel @p2 .LBB2_11-.Ltmp4, $4  }
0x13c: {  	v14 =	vmul.f32 $8.000000000e+00, v14;
	[tilespmem:v12+s25+$0x0] =	vst.idx.msk $0xffff, v7  }
0x13d: {  	s5 =	sadd.s32 $0x2, s17;
	v7 =	vmul.f32 $8.000000000e+00, v15;
	[tilespmem:v9+s25+$0x0] =	vst.idx.msk $0xffff, v10  }
0x13e: {  	v12 =	vmov s5;
	v10 =	vmul.f32 $8.000000000e+00, v16;
	[tilespmem:v24+s25+$0x0] =	vst.idx.msk $0xffff, v14  }
0x13f: {  	v11 =	vmul.f32 $8.000000000e+00, v11;
	v9 =	vand.u32 $0x78, v12;
	[tilespmem:v13+s25+$0x0] =	vst.idx.msk $0xffff, v7;
	v7 =	vand.u32 $0x6, v12  }
0x140: {  	_ =	sdelay $0x3  }
0x141: {  	v8 =	vmul.f32 $8.000000000e+00, v8;
	[tilespmem:v6+s25+$0x0] =	vst.idx.msk $0xffff, v10  }
0x142: {  	[tilespmem:v5+s25+$0x0] =	vst.idx.msk $0xffff, v11  }
0x143: {  	[tilespmem:v4+s25+$0x0] =	vst.idx.msk $0xffff, v8  }
0x144: {  	v5 =	vld [tilespmem:s18+$0x0]  }
0x145: {  	v53 =	vadd.s32 v0, v9;
	v8 =	vld [tilespmem:s18+$0x10]  }
0x146: {  	v55 =	vadd.s32 v1, v9;
	v54 =	vor.u32 v7, v53;
	v4 =	vld [tilespmem:s18+$0x20]  }
0x147: {  	v13 =	vadd.s32 v2, v9;
	v14 =	vor.u32 v7, v55;
	v12 =	vld [tilespmem:s18+$0x30]  }
0x148: {  	v56 =	vadd.s32 v3, v9;
	v16 =	vor.u32 v7, v13;
	v15 =	vld [tilespmem:s18+$0x80]  }
0x149: {  	v18 =	vor.u32 $0x1, v7;
	v57 =	vor.u32 v7, v56;
	v17 =	vld [tilespmem:s18+$0x90];
	v5 =	vmul.f32 $8.000000000e+00, v5  }
0x14a: {  	v6 =	vor.u32 v18, v53;
	v19 =	vld [tilespmem:s18+$0xA0];
	v8 =	vmul.f32 $8.000000000e+00, v8  }
0x14b: {  	v20 =	vld [tilespmem:s18+$0xB0];
	v4 =	vmul.f32 $8.000000000e+00, v4;
	[tilespmem:v54+s25+$0x0] =	vst.idx.msk $0xffff, v5;
	v5 =	vor.u32 v18, v55  }
0x14c: {  	v58 =	vor.u32 v18, v13;
	v59 =	vmul.f32 $8.000000000e+00, v12;
	[tilespmem:v14+s25+$0x0] =	vst.idx.msk $0xffff, v8  }
0x14d: {  	v60 =	vor.u32 v18, v56;
	v61 =	vmul.f32 $8.000000000e+00, v15;
	[tilespmem:v16+s25+$0x0] =	vst.idx.msk $0xffff, v4  }
0x14e: {  	v4 =	vmul.f32 $8.000000000e+00, v17;
	[tilespmem:v57+s25+$0x0] =	vst.idx.msk $0xffff, v59  }
0x14f: {  	v62 =	vmul.f32 $8.000000000e+00, v19;
	[tilespmem:v6+s25+$0x0] =	vst.idx.msk $0xffff, v61  }
0x150: {  	v63 =	vmul.f32 $8.000000000e+00, v20;
	[tilespmem:v5+s25+$0x0] =	vst.idx.msk $0xffff, v4  }
0x151: {  	[tilespmem:v58+s25+$0x0] =	vst.idx.msk $0xffff, v62  }
0x152: {  	s5 =	sadd.s32 @!p1 $0x300, s14;
	s10 =	simm.s32 @!p1 $0x80;
	s16 =	simm.s32 @!p1 $0xE400;
	[tilespmem:v60+s25+$0x0] =	vst.idx.msk $0xffff, v63  }
0x153: {  	[tilespmem:s16], [sflag:$0x3] =	stream.indirect.gather @!p1 [hbm4b:s4+s10], $0x80, s5, s10, $0xb8;
	[tilespmem:$0x1EC00] =	vst v63  }
0x154: {  	s19 =	simm.s32 $0x1A800;
	s10 =	sadd.s32 s15, s8  }
0x155: {  	[hbm4b:s10+s3] =	stream.linear.scatter [tilespmem:s19], [sflag:$0x7], $0x80, $0x38;
	[tilespmem:$0x1EC00] =	vst v63  }
0x156: {  	s16 =	simm.s32 $0x1A888;
	s17 =	sadd.s32 $0x10, s10  }
0x157: {  	[hbm4b:s17+s3] =	stream.linear.scatter [tilespmem:s16], [sflag:$0x7], $0x80, $0x38;
	[tilespmem:$0x1EC00] =	vst v63  }
0x158: {  	s18 =	simm.s32 $0x1A910;
	s19 =	sadd.s32 $0x20, s10  }
0x159: {  	[hbm4b:s19+s3] =	stream.linear.scatter [tilespmem:s18], [sflag:$0x7], $0x80, $0x38;
	[tilespmem:$0x1EC00] =	vst v63  }
0x15a: {  	s16 =	simm.s32 $0x1A998;
	s17 =	sadd.s32 $0x30, s10  }
0x15b: {  	[hbm4b:s17+s3] =	stream.linear.scatter [tilespmem:s16], [sflag:$0x7], $0x80, $0x38;
	[tilespmem:$0x1EC00] =	vst v63  }
0x15c: {  	s18 =	simm.s32 $0x1AA20;
	s19 =	sadd.s32 $0x40, s10  }
0x15d: {  	[hbm4b:s19+s3] =	stream.linear.scatter [tilespmem:s18], [sflag:$0x7], $0x80, $0x38;
	[tilespmem:$0x1EC00] =	vst v63  }
0x15e: {  	s5 =	sadd.s32 $0x70, s10;
	s16 =	simm.s32 $0x1AAA8;
	s17 =	sadd.s32 $0x50, s10  }
0x15f: {  	[hbm4b:s17+s3] =	stream.linear.scatter [tilespmem:s16], [sflag:$0x7], $0x80, $0x38;
	[tilespmem:$0x1EC00] =	vst v63  }
0x160: {  	s18 =	simm.s32 $0x1AB30;
	s19 =	sadd.s32 $0x60, s10;
	s16 =	simm.s32 $0x440  }
0x161: {  	[hbm4b:s19+s3] =	stream.linear.scatter [tilespmem:s18], [sflag:$0x7], $0x80, $0x38;
	[tilespmem:$0x1EC00] =	vst v63  }
0x162: {  	s17 =	sadd.s32 $0x1000, s10;
	s18 =	simm.s32 $0x2200;
	s19 =	simm.s32 $0x1ABB8  }
.LBB2_13:
0x163: {  	[hbm4b:s5+s3] =	stream.linear.scatter [tilespmem:s19], [sflag:$0x7], $0x80, $0x38;
	[tilespmem:$0x1EC00] =	vst v63  }
0x164: {  	s5 =	smov.u32 s16;
	s10 =	smov.u32 s18  }
0x165: {  	s16 =	sshra.s32 s10, $0x2;
	s10 =	sadd.s32 $0x1100, s18;
	s19 =	sadd.s32 $0x1A800, s5  }
0x166: {  	[hbm4b:s17+s3] =	stream.linear.scatter [tilespmem:s19], [sflag:$0x7], $0x80, $0x38;
	[tilespmem:$0x1EC00] =	vst v63  }
0x167: {  	p2 =	sne.s32 s18, $0x7700;
	s18 =	sadd.s32 $0x1A888, s5;
	s19 =	sadd.s32 $0x10, s17  }
0x168: {  	[hbm4b:s19+s3] =	stream.linear.scatter [tilespmem:s18], [sflag:$0x7], $0x80, $0x38;
	[tilespmem:$0x1EC00] =	vst v63  }
0x169: {  	s18 =	sadd.s32 $0x1A910, s5;
	s19 =	sadd.s32 $0x20, s17  }
0x16a: {  	[hbm4b:s19+s3] =	stream.linear.scatter [tilespmem:s18], [sflag:$0x7], $0x80, $0x38;
	[tilespmem:$0x1EC00] =	vst v63  }
0x16b: {  	s18 =	sadd.s32 $0x1A998, s5;
	s19 =	sadd.s32 $0x30, s17  }
0x16c: {  	[hbm4b:s19+s3] =	stream.linear.scatter [tilespmem:s18], [sflag:$0x7], $0x80, $0x38;
	[tilespmem:$0x1EC00] =	vst v63  }
0x16d: {  	s18 =	sadd.s32 $0x1AA20, s5;
	s19 =	sadd.s32 $0x40, s17  }
0x16e: {  	[hbm4b:s19+s3] =	stream.linear.scatter [tilespmem:s18], [sflag:$0x7], $0x80, $0x38;
	[tilespmem:$0x1EC00] =	vst v63  }
0x16f: {  	s18 =	sadd.s32 $0x1AAA8, s5;
	s19 =	sadd.s32 $0x50, s17  }
0x170: {  	[hbm4b:s19+s3] =	stream.linear.scatter [tilespmem:s18], [sflag:$0x7], $0x80, $0x38;
	[tilespmem:$0x1EC00] =	vst v63  }
.Ltmp5:
0x171: {  	_ = 	snop;
	(pc) =	sbr.rel @p2 .LBB2_13-.Ltmp5, $4  }
0x172: {  	s18 =	sadd.s32 $0x1AB30, s5;
	s19 =	sadd.s32 $0x60, s17  }
0x173: {  	[hbm4b:s19+s3] =	stream.linear.scatter [tilespmem:s18], [sflag:$0x7], $0x80, $0x38;
	[tilespmem:$0x1EC00] =	vst v63  }
0x174: {  	s19 =	sadd.s32 $0x1ABB8, s5  }
0x175: {  	s5 =	sadd.s32 $0x70, s17;
	s17 =	sadd.s32 $0x1000, s17;
	s18 =	smov.u32 s10  }
0x176: {  	[hbm4b:s5+s3] =	stream.linear.scatter [tilespmem:s19], [sflag:$0x7], $0x80, $0x38;
	[tilespmem:$0x1EC00] =	vst v63  }
0x177: {  	s18 =	sadd.s32 $0x1A800, s16  }
0x178: {  	[hbm4b:s17+s3] =	stream.linear.scatter [tilespmem:s18], [sflag:$0x7], $0x80, $0x38;
	[tilespmem:$0x1EC00] =	vst v63  }
0x179: {  	s19 =	sadd.s32 $0x1A888, s16;
	s10 =	sadd.s32 $0x10, s17  }
0x17a: {  	[hbm4b:s10+s3] =	stream.linear.scatter [tilespmem:s19], [sflag:$0x7], $0x80, $0x38;
	[tilespmem:$0x1EC00] =	vst v63  }
0x17b: {  	s18 =	sadd.s32 $0x1A910, s16;
	s19 =	sadd.s32 $0x20, s17  }
0x17c: {  	[hbm4b:s19+s3] =	stream.linear.scatter [tilespmem:s18], [sflag:$0x7], $0x80, $0x38;
	[tilespmem:$0x1EC00] =	vst v63  }
0x17d: {  	s18 =	sadd.s32 $0x1A998, s16;
	s19 =	sadd.s32 $0x30, s17  }
0x17e: {  	[hbm4b:s19+s3] =	stream.linear.scatter [tilespmem:s18], [sflag:$0x7], $0x80, $0x38;
	[tilespmem:$0x1EC00] =	vst v63  }
0x17f: {  	s18 =	sadd.s32 $0x1AA20, s16;
	s19 =	sadd.s32 $0x40, s17  }
0x180: {  	[hbm4b:s19+s3] =	stream.linear.scatter [tilespmem:s18], [sflag:$0x7], $0x80, $0x38;
	[tilespmem:$0x1EC00] =	vst v63  }
0x181: {  	s18 =	sadd.s32 $0x1AAA8, s16;
	s19 =	sadd.s32 $0x50, s17  }
0x182: {  	[hbm4b:s19+s3] =	stream.linear.scatter [tilespmem:s18], [sflag:$0x7], $0x80, $0x38;
	[tilespmem:$0x1EC00] =	vst v63  }
0x183: {  	s18 =	sadd.s32 $0x1AB30, s16;
	s19 =	sadd.s32 $0x60, s17  }
0x184: {  	[hbm4b:s19+s3] =	stream.linear.scatter [tilespmem:s18], [sflag:$0x7], $0x80, $0x38;
	[tilespmem:$0x1EC00] =	vst v63  }
0x185: {  	s16 =	sadd.s32 $0x1ABB8, s16;
	s18 =	sadd.s32 $0x70, s17  }
0x186: {  	[hbm4b:s18+s3] =	stream.linear.scatter [tilespmem:s16], [sflag:$0x7], $0x80, $0x38;
	[tilespmem:$0x1EC00] =	vst v63  }
0x187: {  	_ =	swait.ge [sflag:s26], $0x4000  }
0x188: {  	[sflag:s26] =	ssyncset.done $0x0  }
0x189: {  	s5 =	simm.s32 @!p0 $0x8;
	[sflag:s26] =	ssyncadd.s32 $0xFFFFC000  }
0x18a: {  	_ =	swait.ge @!p0 [sflag:s5], $0x2000  }
0x18b: {  	s17 =	simm.s32 $0x0;
	[sflag:s5] =	ssyncset.done @!p0 $0x0  }
0x18c: {  	v4 =	vmov s17;
	s16 =	simm.s32 $0x12500;
	[sflag:s5] =	ssyncadd.s32 @!p0 $0xFFFFE000  }
0x18d: {  	v6 =	vand.u32 $0x78, v4;
	v7 =	vld [tilespmem:s16+$0xFFFFFF00]  }
0x18e: {  	v4 =	vand.u32 $0x4, v4;
	v8 =	vadd.s32 v0, v6;
	v5 =	vld [tilespmem:s16+$0xFFFFFF10]  }
0x18f: {  	v11 =	vadd.s32 v1, v6;
	v10 =	vor.u32 v4, v8;
	v12 =	vld [tilespmem:s16+$0xFFFFFF20]  }
0x190: {  	v13 =	vadd.s32 v2, v6;
	v14 =	vor.u32 v4, v11;
	v15 =	vld [tilespmem:s16+$0xFFFFFF30]  }
0x191: {  	v16 =	vadd.s32 v3, v6;
	v17 =	vor.u32 v4, v13;
	v18 =	vld [tilespmem:s16+$0xFFFFFF80]  }
0x192: {  	v19 =	vor.u32 v4, v16;
	v4 =	vor.u32 $0x1, v4;
	v20 =	vld [tilespmem:s16+$0xFFFFFF90];
	v6 =	vmul.f32 $8.000000000e+00, v7  }
0x193: {  	v9 =	vld [tilespmem:s16+$0xFFFFFFA0];
	v7 =	vor.u32 v4, v8;
	v5 =	vmul.f32 $8.000000000e+00, v5  }
0x194: {  	v8 =	vld [tilespmem:s16+$0xFFFFFFB0];
	[tilespmem:v10+s28+$0x0] =	vst.idx.msk $0xffff, v6;
	v10 =	vmul.f32 $8.000000000e+00, v12;
	v6 =	vor.u32 v4, v11  }
0x195: {  	v61 =	vmul.f32 $8.000000000e+00, v15;
	[tilespmem:v14+s28+$0x0] =	vst.idx.msk $0xffff, v5;
	v5 =	vor.u32 v4, v13  }
0x196: {  	s19 =	simm.s32 $0x2;
	v62 =	vmul.f32 $8.000000000e+00, v18;
	v4 =	vor.u32 v4, v16;
	[tilespmem:v17+s28+$0x0] =	vst.idx.msk $0xffff, v10  }
0x197: {  	v63 =	vmov s19;
	v10 =	vmul.f32 $8.000000000e+00, v20;
	[tilespmem:v19+s28+$0x0] =	vst.idx.msk $0xffff, v61  }
0x198: {  	s19 =	simm.s32 $0x0;
	s18 =	simm.s32 $0x12500;
	v11 =	vmul.f32 $8.000000000e+00, v9;
	v9 =	vand.u32 $0x78, v63;
	[tilespmem:v7+s28+$0x0] =	vst.idx.msk $0xffff, v62;
	v7 =	vand.u32 $0x6, v63  }
.LBB2_15:
0x199: {  	s19 =	sadd.s32 $0x2, s19;
	v8 =	vmul.f32 $8.000000000e+00, v8;
	[tilespmem:v6+s28+$0x0] =	vst.idx.msk $0xffff, v10;
	v6 =	vadd.s32 v0, v9;
	v10 =	vadd.s32 v2, v9;
	s16 =	sadd.s32 $0x200, s16;
	s17 =	sadd.s32 $0x4, s17  }
0x19a: {  	v12 =	vor.u32 $0x1, v7;
	p0 =	slt.u32 s19, $0x3E;
	[tilespmem:v5+s28+$0x0] =	vst.idx.msk $0xffff, v11;
	v11 =	vor.u32 v7, v6;
	v5 =	vadd.s32 v1, v9  }
0x19b: {  	v13 =	vmov s17;
	v14 =	vor.u32 v12, v6;
	[tilespmem:v4+s28+$0x0] =	vst.idx.msk $0xffff, v8;
	v8 =	vor.u32 v7, v5  }
0x19c: {  	v16 =	vor.u32 v7, v10;
	v6 =	vadd.s32 v3, v9;
	v4 =	vand.u32 $0x78, v13;
	v15 =	vld [tilespmem:s18+$0x20]  }
0x19d: {  	v9 =	vand.u32 $0x4, v13;
	v7 =	vor.u32 v7, v6;
	v13 =	vadd.s32 v0, v4;
	v17 =	vld [tilespmem:s18+$0x0]  }
0x19e: {  	v21 =	vor.u32 v12, v5;
	v19 =	vadd.s32 v1, v4;
	v18 =	vor.u32 v9, v13;
	v20 =	vld [tilespmem:s18+$0x10]  }
0x19f: {  	v23 =	vor.u32 v12, v6;
	v5 =	vadd.s32 v2, v4;
	v4 =	vadd.s32 v3, v4;
	v22 =	vld [tilespmem:s18+$0x30]  }
0x1a0: {  	v10 =	vor.u32 v12, v10;
	v25 =	vor.u32 $0x1, v9;
	v24 =	vor.u32 v9, v4;
	v26 =	vld [tilespmem:s18+$0x80]  }
0x1a1: {  	v12 =	vor.u32 v9, v19;
	v9 =	vor.u32 v9, v5;
	v27 =	vld [tilespmem:s18+$0x90]  }
0x1a2: {  	v13 =	vor.u32 v25, v13;
	v6 =	vor.u32 v25, v19;
	v19 =	vld [tilespmem:s18+$0xA0];
	v17 =	vmul.f32 $8.000000000e+00, v17  }
0x1a3: {  	v5 =	vor.u32 v25, v5;
	v4 =	vor.u32 v25, v4;
	v25 =	vld [tilespmem:s18+$0xB0];
	v20 =	vmul.f32 $8.000000000e+00, v20;
	s18 =	smov.u32 s16  }
0x1a4: {  	v15 =	vmul.f32 $8.000000000e+00, v15;
	[tilespmem:v11+s28+$0x0] =	vst.idx.msk $0xffff, v17  }
0x1a5: {  	v11 =	vmul.f32 $8.000000000e+00, v22;
	[tilespmem:v8+s28+$0x0] =	vst.idx.msk $0xffff, v20  }
0x1a6: {  	v8 =	vmul.f32 $8.000000000e+00, v26;
	[tilespmem:v16+s28+$0x0] =	vst.idx.msk $0xffff, v15  }
0x1a7: {  	v15 =	vmul.f32 $8.000000000e+00, v27;
	[tilespmem:v7+s28+$0x0] =	vst.idx.msk $0xffff, v11  }
0x1a8: {  	v7 =	vmul.f32 $8.000000000e+00, v19;
	[tilespmem:v14+s28+$0x0] =	vst.idx.msk $0xffff, v8  }
0x1a9: {  	v8 =	vmul.f32 $8.000000000e+00, v25;
	[tilespmem:v21+s28+$0x0] =	vst.idx.msk $0xffff, v15  }
0x1aa: {  	[tilespmem:v10+s28+$0x0] =	vst.idx.msk $0xffff, v7  }
0x1ab: {  	[tilespmem:v23+s28+$0x0] =	vst.idx.msk $0xffff, v8  }
0x1ac: {  	v7 =	vld [tilespmem:s16+$0xFFFFFF10]  }
0x1ad: {  	v8 =	vld [tilespmem:s16+$0xFFFFFF00]  }
0x1ae: {  	v11 =	vld [tilespmem:s16+$0xFFFFFFA0]  }
0x1af: {  	v10 =	vld [tilespmem:s16+$0xFFFFFF20]  }
0x1b0: {  	v14 =	vld [tilespmem:s16+$0xFFFFFF30]  }
0x1b1: {  	v15 =	vld [tilespmem:s16+$0xFFFFFF80]  }
0x1b2: {  	v16 =	vld [tilespmem:s16+$0xFFFFFF90];
	v17 =	vmul.f32 $8.000000000e+00, v8  }
0x1b3: {  	v7 =	vmul.f32 $8.000000000e+00, v7;
	v8 =	vld [tilespmem:s16+$0xFFFFFFB0]  }
.Ltmp6:
0x1b4: {  	v10 =	vmul.f32 $8.000000000e+00, v10;
	[tilespmem:v18+s28+$0x0] =	vst.idx.msk $0xffff, v17;
	(pc) =	sbr.rel @p0 .LBB2_15-.Ltmp6, $4  }
0x1b5: {  	v14 =	vmul.f32 $8.000000000e+00, v14;
	[tilespmem:v12+s28+$0x0] =	vst.idx.msk $0xffff, v7  }
0x1b6: {  	s5 =	sadd.s32 $0x2, s17;
	v7 =	vmul.f32 $8.000000000e+00, v15;
	[tilespmem:v9+s28+$0x0] =	vst.idx.msk $0xffff, v10  }
0x1b7: {  	v12 =	vmov s5;
	v10 =	vmul.f32 $8.000000000e+00, v16;
	[tilespmem:v24+s28+$0x0] =	vst.idx.msk $0xffff, v14  }
0x1b8: {  	v11 =	vmul.f32 $8.000000000e+00, v11;
	v9 =	vand.u32 $0x78, v12;
	[tilespmem:v13+s28+$0x0] =	vst.idx.msk $0xffff, v7;
	v7 =	vand.u32 $0x6, v12  }
0x1b9: {  	_ =	sdelay $0x3  }
0x1ba: {  	v8 =	vmul.f32 $8.000000000e+00, v8;
	[tilespmem:v6+s28+$0x0] =	vst.idx.msk $0xffff, v10  }
0x1bb: {  	[tilespmem:v5+s28+$0x0] =	vst.idx.msk $0xffff, v11  }
0x1bc: {  	[tilespmem:v4+s28+$0x0] =	vst.idx.msk $0xffff, v8  }
0x1bd: {  	v5 =	vld [tilespmem:s18+$0x0]  }
0x1be: {  	v53 =	vadd.s32 v0, v9;
	v8 =	vld [tilespmem:s18+$0x10]  }
0x1bf: {  	v55 =	vadd.s32 v1, v9;
	v54 =	vor.u32 v7, v53;
	v4 =	vld [tilespmem:s18+$0x20]  }
0x1c0: {  	v13 =	vadd.s32 v2, v9;
	v14 =	vor.u32 v7, v55;
	v12 =	vld [tilespmem:s18+$0x30]  }
0x1c1: {  	v56 =	vadd.s32 v3, v9;
	v16 =	vor.u32 v7, v13;
	v15 =	vld [tilespmem:s18+$0x80]  }
0x1c2: {  	v18 =	vor.u32 $0x1, v7;
	v57 =	vor.u32 v7, v56;
	v17 =	vld [tilespmem:s18+$0x90];
	v5 =	vmul.f32 $8.000000000e+00, v5  }
0x1c3: {  	v6 =	vor.u32 v18, v53;
	v19 =	vld [tilespmem:s18+$0xA0];
	v8 =	vmul.f32 $8.000000000e+00, v8  }
0x1c4: {  	v20 =	vld [tilespmem:s18+$0xB0];
	v4 =	vmul.f32 $8.000000000e+00, v4;
	[tilespmem:v54+s28+$0x0] =	vst.idx.msk $0xffff, v5;
	v5 =	vor.u32 v18, v55  }
0x1c5: {  	v58 =	vor.u32 v18, v13;
	v59 =	vmul.f32 $8.000000000e+00, v12;
	[tilespmem:v14+s28+$0x0] =	vst.idx.msk $0xffff, v8  }
0x1c6: {  	v60 =	vor.u32 v18, v56;
	v61 =	vmul.f32 $8.000000000e+00, v15;
	[tilespmem:v16+s28+$0x0] =	vst.idx.msk $0xffff, v4  }
0x1c7: {  	v4 =	vmul.f32 $8.000000000e+00, v17;
	[tilespmem:v57+s28+$0x0] =	vst.idx.msk $0xffff, v59  }
0x1c8: {  	v62 =	vmul.f32 $8.000000000e+00, v19;
	[tilespmem:v6+s28+$0x0] =	vst.idx.msk $0xffff, v61  }
0x1c9: {  	v63 =	vmul.f32 $8.000000000e+00, v20;
	[tilespmem:v5+s28+$0x0] =	vst.idx.msk $0xffff, v4  }
0x1ca: {  	[tilespmem:v58+s28+$0x0] =	vst.idx.msk $0xffff, v62  }
0x1cb: {  	s5 =	sadd.s32 @!p1 $0x380, s14;
	s10 =	simm.s32 @!p1 $0x80;
	s14 =	simm.s32 @!p1 $0x12400;
	[tilespmem:v60+s28+$0x0] =	vst.idx.msk $0xffff, v63  }
0x1cc: {  	[tilespmem:s14], [sflag:$0x4] =	stream.indirect.gather @!p1 [hbm4b:s4+s10], $0x80, s5, s10, $0xb8;
	[tilespmem:$0x1EC00] =	vst v63  }
0x1cd: {  	s19 =	simm.s32 $0x1CA00;
	s10 =	sadd.s32 s15, s9  }
0x1ce: {  	[hbm4b:s10+s3] =	stream.linear.scatter [tilespmem:s19], [sflag:$0x8], $0x80, $0x38;
	[tilespmem:$0x1EC00] =	vst v63  }
0x1cf: {  	s14 =	simm.s32 $0x1CA88;
	s15 =	sadd.s32 $0x10, s10  }
0x1d0: {  	[hbm4b:s15+s3] =	stream.linear.scatter [tilespmem:s14], [sflag:$0x8], $0x80, $0x38;
	[tilespmem:$0x1EC00] =	vst v63  }
0x1d1: {  	s16 =	simm.s32 $0x1CB10;
	s18 =	simm.s32 $0x1CB98;
	s17 =	sadd.s32 $0x20, s10  }
0x1d2: {  	[hbm4b:s17+s3] =	stream.linear.scatter [tilespmem:s16], [sflag:$0x8], $0x80, $0x38;
	[tilespmem:$0x1EC00] =	vst v63  }
0x1d3: {  	s5 =	sadd.s32 $0x70, s10;
	s19 =	sadd.s32 $0x30, s10;
	s14 =	simm.s32 $0x1CC20  }
0x1d4: {  	[hbm4b:s19+s3] =	stream.linear.scatter [tilespmem:s18], [sflag:$0x8], $0x80, $0x38;
	[tilespmem:$0x1EC00] =	vst v63  }
0x1d5: {  	s15 =	sadd.s32 $0x40, s10;
	s16 =	simm.s32 $0x1CCA8;
	s17 =	sadd.s32 $0x50, s10  }
0x1d6: {  	[hbm4b:s15+s3] =	stream.linear.scatter [tilespmem:s14], [sflag:$0x8], $0x80, $0x38;
	[tilespmem:$0x1EC00] =	vst v63  }
0x1d7: {  	s18 =	simm.s32 $0x1CD30;
	s19 =	sadd.s32 $0x60, s10;
	s14 =	simm.s32 $0x440  }
0x1d8: {  	[hbm4b:s17+s3] =	stream.linear.scatter [tilespmem:s16], [sflag:$0x8], $0x80, $0x38;
	[tilespmem:$0x1EC00] =	vst v63  }
0x1d9: {  	s15 =	sadd.s32 $0x1000, s10;
	s16 =	simm.s32 $0x2200;
	s17 =	simm.s32 $0x1CDB8  }
0x1da: {  	[hbm4b:s19+s3] =	stream.linear.scatter [tilespmem:s18], [sflag:$0x8], $0x80, $0x38;
	[tilespmem:$0x1EC00] =	vst v63  }
.LBB2_17:
0x1db: {  	[hbm4b:s5+s3] =	stream.linear.scatter [tilespmem:s17], [sflag:$0x8], $0x80, $0x38;
	[tilespmem:$0x1EC00] =	vst v63  }
0x1dc: {  	s5 =	smov.u32 s14;
	s10 =	smov.u32 s16  }
0x1dd: {  	s14 =	sshra.s32 s10, $0x2;
	s10 =	sadd.s32 $0x1100, s16;
	s17 =	sadd.s32 $0x1CA00, s5  }
0x1de: {  	[hbm4b:s15+s3] =	stream.linear.scatter [tilespmem:s17], [sflag:$0x8], $0x80, $0x38;
	[tilespmem:$0x1EC00] =	vst v63  }
0x1df: {  	p0 =	sne.s32 s16, $0x7700;
	s16 =	sadd.s32 $0x1CA88, s5;
	s17 =	sadd.s32 $0x10, s15  }
0x1e0: {  	[hbm4b:s17+s3] =	stream.linear.scatter [tilespmem:s16], [sflag:$0x8], $0x80, $0x38;
	[tilespmem:$0x1EC00] =	vst v63  }
0x1e1: {  	s16 =	sadd.s32 $0x1CB10, s5;
	s17 =	sadd.s32 $0x20, s15  }
0x1e2: {  	[hbm4b:s17+s3] =	stream.linear.scatter [tilespmem:s16], [sflag:$0x8], $0x80, $0x38;
	[tilespmem:$0x1EC00] =	vst v63  }
0x1e3: {  	s16 =	sadd.s32 $0x1CB98, s5;
	s17 =	sadd.s32 $0x30, s15  }
0x1e4: {  	[hbm4b:s17+s3] =	stream.linear.scatter [tilespmem:s16], [sflag:$0x8], $0x80, $0x38;
	[tilespmem:$0x1EC00] =	vst v63  }
0x1e5: {  	s16 =	sadd.s32 $0x1CC20, s5;
	s17 =	sadd.s32 $0x40, s15  }
0x1e6: {  	[hbm4b:s17+s3] =	stream.linear.scatter [tilespmem:s16], [sflag:$0x8], $0x80, $0x38;
	[tilespmem:$0x1EC00] =	vst v63  }
0x1e7: {  	s16 =	sadd.s32 $0x1CCA8, s5;
	s17 =	sadd.s32 $0x50, s15  }
0x1e8: {  	[hbm4b:s17+s3] =	stream.linear.scatter [tilespmem:s16], [sflag:$0x8], $0x80, $0x38;
	[tilespmem:$0x1EC00] =	vst v63  }
.Ltmp7:
0x1e9: {  	_ = 	snop;
	(pc) =	sbr.rel @p0 .LBB2_17-.Ltmp7, $4  }
0x1ea: {  	s16 =	sadd.s32 $0x1CD30, s5;
	s17 =	sadd.s32 $0x60, s15  }
0x1eb: {  	[hbm4b:s17+s3] =	stream.linear.scatter [tilespmem:s16], [sflag:$0x8], $0x80, $0x38;
	[tilespmem:$0x1EC00] =	vst v63  }
0x1ec: {  	s17 =	sadd.s32 $0x1CDB8, s5  }
0x1ed: {  	s5 =	sadd.s32 $0x70, s15;
	s15 =	sadd.s32 $0x1000, s15;
	s16 =	smov.u32 s10  }
0x1ee: {  	[hbm4b:s5+s3] =	stream.linear.scatter [tilespmem:s17], [sflag:$0x8], $0x80, $0x38;
	[tilespmem:$0x1EC00] =	vst v63  }
0x1ef: {  	s18 =	sadd.s32 $0x1CA00, s14  }
0x1f0: {  	[hbm4b:s15+s3] =	stream.linear.scatter [tilespmem:s18], [sflag:$0x8], $0x80, $0x38;
	[tilespmem:$0x1EC00] =	vst v63  }
0x1f1: {  	s19 =	sadd.s32 $0x1CA88, s14;
	s10 =	sadd.s32 $0x10, s15  }
0x1f2: {  	[hbm4b:s10+s3] =	stream.linear.scatter [tilespmem:s19], [sflag:$0x8], $0x80, $0x38;
	[tilespmem:$0x1EC00] =	vst v63  }
0x1f3: {  	s16 =	sadd.s32 $0x1CB10, s14;
	s17 =	sadd.s32 $0x20, s15  }
0x1f4: {  	[hbm4b:s17+s3] =	stream.linear.scatter [tilespmem:s16], [sflag:$0x8], $0x80, $0x38;
	[tilespmem:$0x1EC00] =	vst v63  }
0x1f5: {  	s18 =	sadd.s32 $0x1CB98, s14;
	s19 =	sadd.s32 $0x30, s15  }
0x1f6: {  	[hbm4b:s19+s3] =	stream.linear.scatter [tilespmem:s18], [sflag:$0x8], $0x80, $0x38;
	[tilespmem:$0x1EC00] =	vst v63  }
0x1f7: {  	s12 =	sadd.s32 $0x1, s12;
	s16 =	sadd.s32 $0x1CC20, s14;
	s17 =	sadd.s32 $0x40, s15  }
0x1f8: {  	[hbm4b:s17+s3] =	stream.linear.scatter [tilespmem:s16], [sflag:$0x8], $0x80, $0x38;
	[tilespmem:$0x1EC00] =	vst v63  }
0x1f9: {  	p0 =	sne.s32 s12, $0x32;
	s18 =	sadd.s32 $0x1CCA8, s14;
	s19 =	sadd.s32 $0x50, s15  }
0x1fa: {  	[hbm4b:s19+s3] =	stream.linear.scatter [tilespmem:s18], [sflag:$0x8], $0x80, $0x38;
	[tilespmem:$0x1EC00] =	vst v63  }
.Ltmp8:
0x1fb: {  	_ = 	snop;
	(pc) =	sbr.rel @p0 .LBB2_2-.Ltmp8, $4  }
0x1fc: {  	s16 =	sadd.s32 $0x1CD30, s14;
	s17 =	sadd.s32 $0x60, s15  }
0x1fd: {  	[hbm4b:s17+s3] =	stream.linear.scatter [tilespmem:s16], [sflag:$0x8], $0x80, $0x38;
	[tilespmem:$0x1EC00] =	vst v63  }
0x1fe: {  	s18 =	sadd.s32 $0x1CDB8, s14;
	s19 =	sadd.s32 $0x70, s15  }
0x1ff: {  	[hbm4b:s19+s3] =	stream.linear.scatter [tilespmem:s18], [sflag:$0x8], $0x80, $0x38;
	[tilespmem:$0x1EC00] =	vst v63  }
0x200: {  	_ =	swait.ge [sflag:s29], $0x2000  }
0x201: {  	[sflag:s29] =	ssyncset.done $0x0  }
0x202: {  	[sflag:s29] =	ssyncadd.s32 $0xFFFFE000  }
0x203: {  	_ =	swait.ge [sflag:s30], $0x2000  }
0x204: {  	[sflag:s30] =	ssyncset.done $0x0  }
0x205: {  	[sflag:s30] =	ssyncadd.s32 $0xFFFFE000  }
0x206: {  	_ =	swait.ge [sflag:s31], $0x2000  }
0x207: {  	[sflag:s31] =	ssyncset.done $0x0  }
0x208: {  	[sflag:s31] =	ssyncadd.s32 $0xFFFFE000  }
0x209: {  	_ =	swait.ge [sflag:s1], $0x2000  }
0x20a: {  	s0 =	sadd.s32 $0x1, s0;
	s5 =	rddreg [dreg:$0x4]  }
0x20b: {  	p0 =	sne.s32 s0, s5  }
.Ltmp9:
0x20c: {  	_ = 	snop;
	(pc) =	sbr.rel @p0 .LBB2_1-.Ltmp9, $3  }
0x20d: {  	_ =	sdelay $0x1  }
0x20e: {  	[sflag:s1] =	ssyncset.done $0x0  }
0x20f: {  	[sflag:s1] =	ssyncadd.s32 $0xFFFFE000  }
0x210: {  	_ =	sfence.sel $0x180000  }
0x211: {  	[bflag:$0x0] =	sbarrier.arrive $0xFFFF  }
0x212: {  	_ =	strace $0x90000047  }
0x213: {  	s0 =	stileid.u32;
	[bflag:$0x2] =	sbarrier.arrive $0xFFFF  }
0x214: {  	p0 =	sne.s32 s0, $0x0;
	s0 =	rddreg [dreg:$0x2]  }
0x215: {  	s0 =	sadd.s32 @!p0 $0x100000, s0  }
0x216: {  	[sflag:s0] =	ssyncadd.tile.s32 @!p0 $0x1;
	_ =	shalt  }
.Lfunc_end2:
_tile_overlayer_lowered:
.L_overlay_start_2:
0x217: {  	(tag) =	ssettag $0x2  }
0x218: {  	s0 =	rddreg [dreg:$0x0];
	s2 =	stileid.u32  }
0x219: {  	s1 =	rddreg [dreg:$0x1];
	p0 =	sne.s32 s2, $0x0  }
0x21a: {  	s3 =	rddreg [dreg:$0x2];
	[bflag:$0x3] =	sbarrier.arrive $0xFFFF;
	s2 =	simm.s32 @!p0 $0x1C09  }
0x21b: {  	[timem:s3], [sflag:s2] =	dma.local @!p0 [hbm:s0], s1  }
0x21c: {  	s0 =	simm.s32 @!p0 $0x9  }
0x21d: {  	_ =	swait.ge @!p0 [sflag:s0], s1  }
0x21e: {  	s1 =	ssub.s32 @!p0 $0x0, s1;
	[sflag:s0] =	ssyncset.done @!p0 $0x0  }
0x21f: {  	[sflag:s0] =	ssyncadd.s32 @!p0 s1  }
0x220: {  	[bflag:$0x3] =	sbarrier.arrive $0xFFFF  }
0x221: {  	_ =	shalt  }

</sc_bundles>
